<compile_context>
chip_gen: v7x
topology: tpu7x:2x2x1
jax: 0.10.2.dev20260603
libtpu: 0.0.44.dev20260713+nightly
codegen_flags: <defaults>
</compile_context>

<pallas_src>
import dataclasses
import functools

import jax
import jax.numpy as jnp
from jax import lax
from jax.experimental import pallas as pl
from jax.experimental.pallas import tpu as pltpu
from jax.experimental.pallas import tpu_sc as plsc

KNN = 32
BLK = 1024
CW = 1024
HDEP = 6


def _topk_body(pos_cols_ref, pall_ref, out_ref, hv_ref, hc_ref, *, n_real, n_pad, nc, cw):
    i = pl.program_id(0)
    blk = out_ref.shape[0]
    inf = jnp.float32(jnp.inf)
    px = pos_cols_ref[:, 0:1]
    py = pos_cols_ref[:, 1:2]
    pz = pos_cols_ref[:, 2:3]
    sqr = pos_cols_ref[:, 3:4]
    rowid = lax.broadcasted_iota(jnp.int32, (blk, 1), 0) + i * blk
    col_base = lax.broadcasted_iota(jnp.int32, (blk, cw), 1)

    big = jnp.int32(n_pad)
    for s in range(HDEP):
        hv_ref[s] = jnp.full((blk, 128), inf, jnp.float32)
        hc_ref[s] = jnp.full((blk, 128), big, jnp.int32)

    def init_chunk(c, _):
        q = pall_ref[c]
        t = px * q[0:1, :]
        t = t + py * q[1:2, :]
        t = t + pz * q[2:3, :]
        d2 = (sqr + q[3:4, :]) - 2.0 * t
        col = col_base + c * cw
        hv = [hv_ref[s] for s in range(HDEP)]
        hc = [hc_ref[s] for s in range(HDEP)]
        for w in range(cw // 128):
            v = lax.slice_in_dim(d2, w * 128, (w + 1) * 128, axis=1)
            cl = lax.slice_in_dim(col, w * 128, (w + 1) * 128, axis=1)
            for s in range(HDEP):
                lt = v < hv[s]
                hv[s], v = jnp.where(lt, v, hv[s]), jnp.where(lt, hv[s], v)
                hc[s], cl = jnp.where(lt, cl, hc[s]), jnp.where(lt, hc[s], cl)
        for s in range(HDEP):
            hv_ref[s] = hv[s]
            hc_ref[s] = hc[s]
        return 0

    lax.fori_loop(0, nc, init_chunk, 0)

    k_iota = lax.broadcasted_iota(jnp.int32, (blk, KNN), 1)
    wa = jnp.full((blk, 128), inf, jnp.float32)
    for s in range(HDEP):
        hv_s = jnp.where(hc_ref[s] == rowid, inf, hv_ref[s])
        hv_ref[s] = hv_s
        wa = jnp.minimum(wa, hv_s)
    m0 = jnp.min(wa, axis=1, keepdims=True)

    def step(t, carry):
        m, out_acc = carry
        ca = jnp.full((blk, 128), big, jnp.int32)
        for s in range(HDEP):
            ca = jnp.minimum(ca, jnp.where(hv_ref[s] == m, hc_ref[s], big))
        sel = jnp.min(ca, axis=1, keepdims=True)
        out_acc = jnp.where(k_iota == t, sel, out_acc)
        wa = jnp.full((blk, 128), inf, jnp.float32)
        for s in range(HDEP):
            hv_s = jnp.where(hc_ref[s] == sel, inf, hv_ref[s])
            hv_ref[s] = hv_s
            wa = jnp.minimum(wa, hv_s)
        m = jnp.min(wa, axis=1, keepdims=True)
        return m, out_acc

    _, out_acc = lax.fori_loop(
        0, KNN, step, (m0, jnp.zeros((blk, KNN), jnp.int32)))
    out_ref[...] = out_acc


def _topk_indices(pos_cols, pall3, n_real):
    n_pad = pos_cols.shape[0]
    nc = pall3.shape[0]
    body = functools.partial(_topk_body, n_real=n_real, n_pad=n_pad, nc=nc, cw=CW)
    return pl.pallas_call(
        body,
        grid=(n_pad // BLK,),
        in_specs=[
            pl.BlockSpec((BLK, 8), lambda i: (i, 0)),
            pl.BlockSpec((nc, 8, CW), lambda i: (0, 0, 0)),
        ],
        out_specs=pl.BlockSpec((BLK, KNN), lambda i: (i, 0)),
        out_shape=jax.ShapeDtypeStruct((n_pad, KNN), jnp.int32),
        scratch_shapes=[pltpu.VMEM((HDEP, BLK, 128), jnp.float32),
                        pltpu.VMEM((HDEP, BLK, 128), jnp.int32)],
    )(pos_cols, pall3)


def _gather_xyz(posx, posy, posz, idx_flat):
    info = plsc.get_sparse_core_info()
    nw = info.num_cores * info.num_subcores
    b = idx_flat.shape[0]
    b_per_w = b // nw
    ch = 2000
    nv = posx.shape[0]
    mesh = plsc.VectorSubcoreMesh(core_axis_name="c", subcore_axis_name="s")
    out_t = jax.ShapeDtypeStruct((b,), jnp.float32)
    cp = pltpu.CompilerParams()
    if "needs_layout_passes" in pltpu.CompilerParams.__dataclass_fields__:
        cp = dataclasses.replace(cp, needs_layout_passes=False)

    @functools.partial(
        pl.kernel, mesh=mesh, compiler_params=cp,
        out_type=(out_t, out_t, out_t),
        scratch_types=[
            pltpu.VMEM((nv,), jnp.float32),
            pltpu.VMEM((nv,), jnp.float32),
            pltpu.VMEM((nv,), jnp.float32),
            pltpu.VMEM((ch,), jnp.int32),
            pltpu.VMEM((ch,), jnp.float32),
            pltpu.VMEM((ch,), jnp.float32),
            pltpu.VMEM((ch,), jnp.float32),
        ],
    )
    def k(px_hbm, py_hbm, pz_hbm, idx_hbm, gx_hbm, gy_hbm, gz_hbm,
          px_v, py_v, pz_v, idx_v, gx_v, gy_v, gz_v):
        wid = lax.axis_index("s") * info.num_cores + lax.axis_index("c")
        base = wid * b_per_w
        pltpu.sync_copy(px_hbm, px_v)
        pltpu.sync_copy(py_hbm, py_v)
        pltpu.sync_copy(pz_hbm, pz_v)

        @pl.loop(0, b_per_w, step=ch)
        def _(c0):
            pltpu.sync_copy(idx_hbm.at[pl.ds(base + c0, ch)], idx_v)

            @pl.loop(0, ch, step=16)
            def _(j):
                iv = idx_v[pl.ds(j, 16)]
                gx_v[pl.ds(j, 16)] = plsc.load_gather(px_v, [iv])
                gy_v[pl.ds(j, 16)] = plsc.load_gather(py_v, [iv])
                gz_v[pl.ds(j, 16)] = plsc.load_gather(pz_v, [iv])

            pltpu.sync_copy(gx_v, gx_hbm.at[pl.ds(base + c0, ch)])
            pltpu.sync_copy(gy_v, gy_hbm.at[pl.ds(base + c0, ch)])
            pltpu.sync_copy(gz_v, gz_hbm.at[pl.ds(base + c0, ch)])

    return k(posx, posy, posz, idx_flat)


def _xform_body(gx_ref, gy_ref, gz_ref, raff_ref, ox_ref, oy_ref, oz_ref):
    dx = gx_ref[...] - raff_ref[:, 9:10]
    dy = gy_ref[...] - raff_ref[:, 10:11]
    dz = gz_ref[...] - raff_ref[:, 11:12]
    ox_ref[...] = raff_ref[:, 0:1] * dx + raff_ref[:, 3:4] * dy + raff_ref[:, 6:7] * dz
    oy_ref[...] = raff_ref[:, 1:2] * dx + raff_ref[:, 4:5] * dy + raff_ref[:, 7:8] * dz
    oz_ref[...] = raff_ref[:, 2:3] * dx + raff_ref[:, 5:6] * dy + raff_ref[:, 8:9] * dz


def _xform(gx, gy, gz, raff):
    n = gx.shape[0]
    b3 = 2000 if n % 2000 == 0 else n
    spec = pl.BlockSpec((b3, KNN), lambda i: (i, 0))
    shp = jax.ShapeDtypeStruct((n, KNN), jnp.float32)
    return pl.pallas_call(
        _xform_body,
        grid=(n // b3,),
        in_specs=[spec, spec, spec, pl.BlockSpec((b3, 16), lambda i: (i, 0))],
        out_specs=[spec, spec, spec],
        out_shape=[shp, shp, shp],
    )(gx, gy, gz, raff)


def kernel(affines, k):
    n = affines.shape[0]
    positions = affines[:, :3, 3]

    step = CW if CW % BLK == 0 else BLK * CW
    n_pad = ((n + step - 1) // step) * step
    nc = n_pad // CW

    pbits = lax.bitcast_convert_type(positions, jnp.uint32)
    pbits = pbits + jnp.uint32(0x7FFF) + ((pbits >> 16) & jnp.uint32(1))
    pos_bf = lax.bitcast_convert_type(pbits & jnp.uint32(0xFFFF0000), jnp.float32)
    sq = jnp.sum(positions * positions, axis=-1)
    feats = jnp.concatenate([pos_bf, sq[:, None]], axis=1)
    pos_cols = jnp.zeros((n_pad, 8), jnp.float32).at[:n, :4].set(feats)
    coords_pad = jnp.pad(pos_bf.T, ((0, 0), (0, n_pad - n)))
    sq_pad = jnp.pad(sq[None, :], ((0, 0), (0, n_pad - n)),
                     constant_values=1e30)
    pall3 = jnp.zeros((8, nc, CW), jnp.float32).at[:4].set(
        jnp.concatenate([coords_pad, sq_pad], axis=0).reshape(4, nc, CW)
    ).transpose(1, 0, 2)

    idx = _topk_indices(pos_cols, pall3, n)[:n]
    edge_index = idx + jnp.asarray(k - KNN, dtype=jnp.int32)

    row = edge_index.reshape(-1)
    col = jnp.repeat(jnp.arange(n, dtype=jnp.int32), KNN)
    full_edge_index = jnp.stack([row, col], axis=0)

    gx, gy, gz = _gather_xyz(positions[:, 0], positions[:, 1], positions[:, 2], row)
    gx = gx.reshape(n, KNN)
    gy = gy.reshape(n, KNN)
    gz = gz.reshape(n, KNN)

    r = affines[:, :3, :3]
    raff = jnp.zeros((n, 16), jnp.float32)
    raff = raff.at[:, 0:9].set(r.reshape(n, 9))
    raff = raff.at[:, 9:12].set(positions)
    ox, oy, oz = _xform(gx, gy, gz, raff)
    neighbour_positions = jnp.stack([ox, oy, oz], axis=-1)

    return (positions, neighbour_positions, edge_index, full_edge_index)

# --- scband reference (transcript-rebuilt; emitter-appended) ---
"""Pipeline reference for scband-backbone-distance-embedding-13932873908958 (READ-ONLY COPY).

The authoritative reference and input builder live on the scoring server;
editing this copy changes nothing except your own understanding.
"""

import jax, jax.numpy as jnp
import numpy as np

N = 10000
K = 32


def setup_inputs(seed: int = 0) -> dict:
    key = jax.random.key(seed)
    kR, kt = jax.random.split(key)
    A = jax.random.normal(kR, (N, 3, 3), dtype=jnp.float32)
    Q, _ = jnp.linalg.qr(A)
    t = jax.random.normal(kt, (N, 3), dtype=jnp.float32) * 10.0
    affines = jnp.zeros((N, 4, 4), dtype=jnp.float32)
    affines = affines.at[:, :3, :3].set(Q)
    affines = affines.at[:, :3, 3].set(t)
    affines = affines.at[:, 3, 3].set(1.0)
    return {"affines": affines, "k": K}


def knn_graph(pos, k):
    # pairwise squared distances via gram trick (compute-bound N^2 matmul)
    n = pos.shape[0]
    sq = jnp.sum(pos * pos, axis=-1)
    d2 = sq[:, None] + sq[None, :] - 2.0 * (pos @ pos.T)
    idx_diag = jnp.arange(n)
    d2 = d2.at[idx_diag, idx_diag].set(jnp.inf)  # loop=False
    _, idx = jax.lax.top_k(-d2, K)  # [N, k] nearest neighbors per query
    idx = idx + jnp.asarray(k - K, dtype=idx.dtype)
    row = idx.reshape(-1)  # source (neighbor) nodes
    col = jnp.repeat(jnp.arange(n), K)  # target (query) nodes
    return jnp.stack([row, col], axis=0)  # flow='source_to_target'


def vecs_to_local_affine(affines, vecs):
    # express global vecs [N, k, 3] in each node's local frame: R^T (v - t)
    R = affines[..., :3, :3]
    t = affines[..., :3, 3]
    diff = vecs - t[:, None, :]
    return jnp.einsum('nji,nkj->nki', R, diff)


def reference(affines, k):
    positions = affines[..., :3, -1]
    full_edge_index = knn_graph(positions, k)
    edge_index = full_edge_index[0].reshape(positions.shape[0], K)
    neighbour_positions = vecs_to_local_affine(affines, positions[edge_index])
    return (positions, neighbour_positions, edge_index, full_edge_index)

if __name__ == "__main__":
    import jax
    _d = setup_inputs()
    print(jax.jit(kernel)(*tuple(_d.values())))

</pallas_src>

<mosaic_0001>
#map = affine_map<(d0, d1) -> (0)>
module attributes {stable_mosaic.version = 14 : i64} {
  func.func @k(%arg0: i32, %arg1: i32, %arg2: memref<10000xf32, #tpu.memory_space<hbm>>, %arg3: memref<10000xf32, #tpu.memory_space<hbm>>, %arg4: memref<10000xf32, #tpu.memory_space<hbm>>, %arg5: memref<320000xi32, #tpu.memory_space<hbm>>, %arg6: memref<320000xf32, #tpu.memory_space<hbm>>, %arg7: memref<320000xf32, #tpu.memory_space<hbm>>, %arg8: memref<320000xf32, #tpu.memory_space<hbm>>, %arg9: memref<10000xf32, #tpu.memory_space<vmem>>, %arg10: memref<10000xf32, #tpu.memory_space<vmem>>, %arg11: memref<10000xf32, #tpu.memory_space<vmem>>, %arg12: memref<2000xi32, #tpu.memory_space<vmem>>, %arg13: memref<2000xf32, #tpu.memory_space<vmem>>, %arg14: memref<2000xf32, #tpu.memory_space<vmem>>, %arg15: memref<2000xf32, #tpu.memory_space<vmem>>) attributes {dimension_semantics = [#tpu.dimension_semantics<core_parallel>, #tpu.dimension_semantics<subcore_parallel>], iteration_bounds = array<i64: 2, 16>, scalar_prefetch = 0 : i64, scratch_operands = 7 : i64, tpu.core_type = #tpu.core_type<sc_vector_subcore>, window_params = [{transform_indices = #map}, {transform_indices = #map}, {transform_indices = #map}, {transform_indices = #map}, {transform_indices = #map}, {transform_indices = #map}, {transform_indices = #map}]} {
    %mul3A = arith.constant 2 : i32
    %mul3A_0 = arith.muli %arg1, %mul3A : i32
    %add3A = arith.addi %mul3A_0, %arg0 : i32
    %mul3A_1 = arith.constant 10000 : i32
    %mul3A_2 = arith.muli %add3A, %mul3A_1 : i32
    "tpu.region"() ({
      %run_scoped3A = tpu.sem_alloc : memref<!tpu.dma_semaphore, #tpu.memory_space<semaphore_mem>>
      tpu.enqueue_dma source(%arg2 : memref<10000xf32, #tpu.memory_space<hbm>>) target(%arg9 : memref<10000xf32, #tpu.memory_space<vmem>>) target_semaphore(%run_scoped3A : memref<!tpu.dma_semaphore, #tpu.memory_space<semaphore_mem>>)
      tpu.wait_dma2 semaphore(%run_scoped3A : memref<!tpu.dma_semaphore, #tpu.memory_space<semaphore_mem>>) src(%arg2 : memref<10000xf32, #tpu.memory_space<hbm>>) dst(%arg9 : memref<10000xf32, #tpu.memory_space<vmem>>)
      tpu.yield
    }) : () -> ()
    "tpu.region"() ({
      %run_scoped3A = tpu.sem_alloc : memref<!tpu.dma_semaphore, #tpu.memory_space<semaphore_mem>>
      tpu.enqueue_dma source(%arg3 : memref<10000xf32, #tpu.memory_space<hbm>>) target(%arg10 : memref<10000xf32, #tpu.memory_space<vmem>>) target_semaphore(%run_scoped3A : memref<!tpu.dma_semaphore, #tpu.memory_space<semaphore_mem>>)
      tpu.wait_dma2 semaphore(%run_scoped3A : memref<!tpu.dma_semaphore, #tpu.memory_space<semaphore_mem>>) src(%arg3 : memref<10000xf32, #tpu.memory_space<hbm>>) dst(%arg10 : memref<10000xf32, #tpu.memory_space<vmem>>)
      tpu.yield
    }) : () -> ()
    "tpu.region"() ({
      %run_scoped3A = tpu.sem_alloc : memref<!tpu.dma_semaphore, #tpu.memory_space<semaphore_mem>>
      tpu.enqueue_dma source(%arg4 : memref<10000xf32, #tpu.memory_space<hbm>>) target(%arg11 : memref<10000xf32, #tpu.memory_space<vmem>>) target_semaphore(%run_scoped3A : memref<!tpu.dma_semaphore, #tpu.memory_space<semaphore_mem>>)
      tpu.wait_dma2 semaphore(%run_scoped3A : memref<!tpu.dma_semaphore, #tpu.memory_space<semaphore_mem>>) src(%arg4 : memref<10000xf32, #tpu.memory_space<hbm>>) dst(%arg11 : memref<10000xf32, #tpu.memory_space<vmem>>)
      tpu.yield
    }) : () -> ()
    %scan3A = arith.constant 0 : i32
    %scan3A_3 = arith.constant 5 : i32
    %scan3A_4 = arith.addi %scan3A, %scan3A_3 : i32
    %scan3A_5 = arith.constant 1 : i32
    scf.for %scan3A_7 = %scan3A to %scan3A_4 step %scan3A_5  : i32 {
      %mul3A_8 = arith.constant 2000 : i32
      %mul3A_9 = arith.muli %scan3A_7, %mul3A_8 : i32
      %add3A_10 = arith.constant 0 : i32
      %add3A_11 = arith.addi %add3A_10, %mul3A_9 : i32
      %add3A_12 = arith.addi %mul3A_2, %add3A_11 : i32
      "tpu.region"() ({
        %run_scoped3A = tpu.sem_alloc : memref<!tpu.dma_semaphore, #tpu.memory_space<semaphore_mem>>
        %dma_start3A = tpu.memref_slice %arg5[%add3A_12] : memref<320000xi32, #tpu.memory_space<hbm>> -> memref<2000xi32, #tpu.memory_space<hbm>>
        %dma_start3A_21 = tpu.memref_slice %arg5[%add3A_12] : memref<320000xi32, #tpu.memory_space<hbm>> -> memref<2000xi32, #tpu.memory_space<hbm>>
        tpu.enqueue_dma source(%dma_start3A_21 : memref<2000xi32, #tpu.memory_space<hbm>>) target(%arg12 : memref<2000xi32, #tpu.memory_space<vmem>>) target_semaphore(%run_scoped3A : memref<!tpu.dma_semaphore, #tpu.memory_space<semaphore_mem>>)
        %dma_wait3A = tpu.memref_slice %arg5[%add3A_12] : memref<320000xi32, #tpu.memory_space<hbm>> -> memref<2000xi32, #tpu.memory_space<hbm>>
        %dma_wait3A_22 = tpu.memref_slice %arg5[%add3A_12] : memref<320000xi32, #tpu.memory_space<hbm>> -> memref<2000xi32, #tpu.memory_space<hbm>>
        tpu.wait_dma2 semaphore(%run_scoped3A : memref<!tpu.dma_semaphore, #tpu.memory_space<semaphore_mem>>) src(%dma_wait3A_22 : memref<2000xi32, #tpu.memory_space<hbm>>) dst(%arg12 : memref<2000xi32, #tpu.memory_space<vmem>>)
        tpu.yield
      }) : () -> ()
      %scan3A_13 = arith.constant 0 : i32
      %scan3A_14 = arith.constant 125 : i32
      %scan3A_15 = arith.addi %scan3A_13, %scan3A_14 : i32
      %scan3A_16 = arith.constant 1 : i32
      scf.for %scan3A_21 = %scan3A_13 to %scan3A_15 step %scan3A_16  : i32 {
        %mul3A_22 = arith.constant 16 : i32
        %mul3A_23 = arith.muli %scan3A_21, %mul3A_22 : i32
        %add3A_24 = arith.constant 0 : i32
        %add3A_25 = arith.addi %add3A_24, %mul3A_23 : i32
        %get3A = arith.index_cast %add3A_25 : i32 to index
        %get3A_26 = tpu.vector_load %arg12[%get3A] {strides = array<i32>} : memref<2000xi32, #tpu.memory_space<vmem>>, vector<16xi32>,
        %gather3A = tpu.vector_load_idx %arg9[%get3A_26] : memref<10000xf32, #tpu.memory_space<vmem>>[vector<16xi32>], vector<16xf32>,
        %swap3A = arith.index_cast %add3A_25 : i32 to index
        %swap3A_27 = tpu.vector_load %arg13[%swap3A] {strides = array<i32>} : memref<2000xf32, #tpu.memory_space<vmem>>, vector<16xf32>,
        tpu.vector_store %arg13[%swap3A], %gather3A {strides = array<i32>} : memref<2000xf32, #tpu.memory_space<vmem>>, vector<16xf32>,
        %gather3A_28 = tpu.vector_load_idx %arg10[%get3A_26] : memref<10000xf32, #tpu.memory_space<vmem>>[vector<16xi32>], vector<16xf32>,
        %swap3A_29 = arith.index_cast %add3A_25 : i32 to index
        %swap3A_30 = tpu.vector_load %arg14[%swap3A_29] {strides = array<i32>} : memref<2000xf32, #tpu.memory_space<vmem>>, vector<16xf32>,
        tpu.vector_store %arg14[%swap3A_29], %gather3A_28 {strides = array<i32>} : memref<2000xf32, #tpu.memory_space<vmem>>, vector<16xf32>,
        %gather3A_31 = tpu.vector_load_idx %arg11[%get3A_26] : memref<10000xf32, #tpu.memory_space<vmem>>[vector<16xi32>], vector<16xf32>,
        %swap3A_32 = arith.index_cast %add3A_25 : i32 to index
        %swap3A_33 = tpu.vector_load %arg15[%swap3A_32] {strides = array<i32>} : memref<2000xf32, #tpu.memory_space<vmem>>, vector<16xf32>,
        tpu.vector_store %arg15[%swap3A_32], %gather3A_31 {strides = array<i32>} : memref<2000xf32, #tpu.memory_space<vmem>>, vector<16xf32>,
      }
      %scan3A_17 = arith.constant 125 : i32
      %add3A_18 = arith.addi %mul3A_2, %add3A_11 : i32
      "tpu.region"() ({
        %run_scoped3A = tpu.sem_alloc : memref<!tpu.dma_semaphore, #tpu.memory_space<semaphore_mem>>
        %dma_start3A = tpu.memref_slice %arg6[%add3A_18] : memref<320000xf32, #tpu.memory_space<hbm>> -> memref<2000xf32, #tpu.memory_space<hbm>>
        %dma_start3A_21 = tpu.memref_slice %arg6[%add3A_18] : memref<320000xf32, #tpu.memory_space<hbm>> -> memref<2000xf32, #tpu.memory_space<hbm>>
        tpu.enqueue_dma source(%arg13 : memref<2000xf32, #tpu.memory_space<vmem>>) target(%dma_start3A_21 : memref<2000xf32, #tpu.memory_space<hbm>>) target_semaphore(%run_scoped3A : memref<!tpu.dma_semaphore, #tpu.memory_space<semaphore_mem>>)
        %dma_wait3A = tpu.memref_slice %arg6[%add3A_18] : memref<320000xf32, #tpu.memory_space<hbm>> -> memref<2000xf32, #tpu.memory_space<hbm>>
        %dma_wait3A_22 = tpu.memref_slice %arg6[%add3A_18] : memref<320000xf32, #tpu.memory_space<hbm>> -> memref<2000xf32, #tpu.memory_space<hbm>>
        tpu.wait_dma2 semaphore(%run_scoped3A : memref<!tpu.dma_semaphore, #tpu.memory_space<semaphore_mem>>) src(%arg13 : memref<2000xf32, #tpu.memory_space<vmem>>) dst(%dma_wait3A_22 : memref<2000xf32, #tpu.memory_space<hbm>>)
        tpu.yield
      }) : () -> ()
      %add3A_19 = arith.addi %mul3A_2, %add3A_11 : i32
      "tpu.region"() ({
        %run_scoped3A = tpu.sem_alloc : memref<!tpu.dma_semaphore, #tpu.memory_space<semaphore_mem>>
        %dma_start3A = tpu.memref_slice %arg7[%add3A_19] : memref<320000xf32, #tpu.memory_space<hbm>> -> memref<2000xf32, #tpu.memory_space<hbm>>
        %dma_start3A_21 = tpu.memref_slice %arg7[%add3A_19] : memref<320000xf32, #tpu.memory_space<hbm>> -> memref<2000xf32, #tpu.memory_space<hbm>>
        tpu.enqueue_dma source(%arg14 : memref<2000xf32, #tpu.memory_space<vmem>>) target(%dma_start3A_21 : memref<2000xf32, #tpu.memory_space<hbm>>) target_semaphore(%run_scoped3A : memref<!tpu.dma_semaphore, #tpu.memory_space<semaphore_mem>>)
        %dma_wait3A = tpu.memref_slice %arg7[%add3A_19] : memref<320000xf32, #tpu.memory_space<hbm>> -> memref<2000xf32, #tpu.memory_space<hbm>>
        %dma_wait3A_22 = tpu.memref_slice %arg7[%add3A_19] : memref<320000xf32, #tpu.memory_space<hbm>> -> memref<2000xf32, #tpu.memory_space<hbm>>
        tpu.wait_dma2 semaphore(%run_scoped3A : memref<!tpu.dma_semaphore, #tpu.memory_space<semaphore_mem>>) src(%arg14 : memref<2000xf32, #tpu.memory_space<vmem>>) dst(%dma_wait3A_22 : memref<2000xf32, #tpu.memory_space<hbm>>)
        tpu.yield
      }) : () -> ()
      %add3A_20 = arith.addi %mul3A_2, %add3A_11 : i32
      "tpu.region"() ({
        %run_scoped3A = tpu.sem_alloc : memref<!tpu.dma_semaphore, #tpu.memory_space<semaphore_mem>>
        %dma_start3A = tpu.memref_slice %arg8[%add3A_20] : memref<320000xf32, #tpu.memory_space<hbm>> -> memref<2000xf32, #tpu.memory_space<hbm>>
        %dma_start3A_21 = tpu.memref_slice %arg8[%add3A_20] : memref<320000xf32, #tpu.memory_space<hbm>> -> memref<2000xf32, #tpu.memory_space<hbm>>
        tpu.enqueue_dma source(%arg15 : memref<2000xf32, #tpu.memory_space<vmem>>) target(%dma_start3A_21 : memref<2000xf32, #tpu.memory_space<hbm>>) target_semaphore(%run_scoped3A : memref<!tpu.dma_semaphore, #tpu.memory_space<semaphore_mem>>)
        %dma_wait3A = tpu.memref_slice %arg8[%add3A_20] : memref<320000xf32, #tpu.memory_space<hbm>> -> memref<2000xf32, #tpu.memory_space<hbm>>
        %dma_wait3A_22 = tpu.memref_slice %arg8[%add3A_20] : memref<320000xf32, #tpu.memory_space<hbm>> -> memref<2000xf32, #tpu.memory_space<hbm>>
        tpu.wait_dma2 semaphore(%run_scoped3A : memref<!tpu.dma_semaphore, #tpu.memory_space<semaphore_mem>>) src(%arg15 : memref<2000xf32, #tpu.memory_space<vmem>>) dst(%dma_wait3A_22 : memref<2000xf32, #tpu.memory_space<hbm>>)
        tpu.yield
      }) : () -> ()
    }
    %scan3A_6 = arith.constant 5 : i32
    return
  }
}

module attributes {stable_mosaic.version = 14 : i64} {
  func.func @_topk_body(%arg0: i32, %arg1: memref<1024x8xf32, #tpu.memory_space<vmem>>, %arg2: memref<10x8x1024xf32, #tpu.memory_space<vmem>>, %arg3: memref<1024x32xi32, #tpu.memory_space<vmem>>, %arg4: memref<6x1024x128xf32, #tpu.memory_space<vmem>>, %arg5: memref<6x1024x128xi32, #tpu.memory_space<vmem>>) attributes {dimension_semantics = [#tpu.dimension_semantics<arbitrary>], iteration_bounds = array<i64: 10>, scalar_prefetch = 0 : i64, scratch_operands = 2 : i64, tpu.core_type = #tpu.core_type<tc>, window_params = [{transform_indices = @transform_0, window_bounds = array<i64: 1024, 8>}, {pipeline_mode = #tpu.pipeline_mode<synchronous>, transform_indices = @transform_1, window_bounds = array<i64: 10, 8, 1024>}, {transform_indices = @transform_2, window_bounds = array<i64: 1024, 32>}]} {
    %get3A = arith.constant 0 : index
    %get3A_0 = arith.constant 0 : index
    %get3A_1 = vector.load %arg1[%get3A, %get3A_0] : memref<1024x8xf32, #tpu.memory_space<vmem>>, vector<1024x1xf32>
    %get3A_2 = arith.constant 0 : index
    %get3A_3 = arith.constant 1 : index
    %get3A_4 = vector.load %arg1[%get3A_2, %get3A_3] : memref<1024x8xf32, #tpu.memory_space<vmem>>, vector<1024x1xf32>
    %get3A_5 = arith.constant 0 : index
    %get3A_6 = arith.constant 2 : index
    %get3A_7 = vector.load %arg1[%get3A_5, %get3A_6] : memref<1024x8xf32, #tpu.memory_space<vmem>>, vector<1024x1xf32>
    %get3A_8 = arith.constant 0 : index
    %get3A_9 = arith.constant 3 : index
    %get3A_10 = vector.load %arg1[%get3A_8, %get3A_9] : memref<1024x8xf32, #tpu.memory_space<vmem>>, vector<1024x1xf32>
    %iota3A = tpu.iota {dimensions = array<i32: 0>} : vector<1024x1xi32>
    %mul3A = arith.constant 1024 : i32
    %mul3A_11 = arith.muli %arg0, %mul3A : i32
    %add3A = vector.broadcast %mul3A_11 : i32 to vector<1024x1xi32>
    %add3A_12 = arith.addi %iota3A, %add3A : vector<1024x1xi32>
    %iota3A_13 = tpu.iota {dimensions = array<i32: 1>} : vector<1024x1024xi32>
    %broadcast_in_dim3A = arith.constant 0x7F800000 : f32
    %broadcast_in_dim3A_14 = vector.broadcast %broadcast_in_dim3A : f32 to vector<1024x128xf32>
    %swap3A = arith.constant 0 : index
    %swap3A_15 = arith.constant 0 : index
    %swap3A_16 = arith.constant 0 : index
    %swap3A_17 = vector.load %arg4[%swap3A, %swap3A_15, %swap3A_16] : memref<6x1024x128xf32, #tpu.memory_space<vmem>>, vector<1x1024x128xf32>
    %swap3A_18 = vector.shape_cast %swap3A_17 : vector<1x1024x128xf32> to vector<1024x128xf32>
    %swap3A_19 = vector.shape_cast %broadcast_in_dim3A_14 : vector<1024x128xf32> to vector<1x1024x128xf32>
    tpu.vector_store %arg4[%swap3A, %swap3A_15, %swap3A_16], %swap3A_19 {strides = array<i32>} : memref<6x1024x128xf32, #tpu.memory_space<vmem>>, vector<1x1024x128xf32>,
    %broadcast_in_dim3A_20 = arith.constant 10240 : i32
    %broadcast_in_dim3A_21 = vector.broadcast %broadcast_in_dim3A_20 : i32 to vector<1024x128xi32>
    %swap3A_22 = arith.constant 0 : index
    %swap3A_23 = arith.constant 0 : index
    %swap3A_24 = arith.constant 0 : index
    %swap3A_25 = vector.load %arg5[%swap3A_22, %swap3A_23, %swap3A_24] : memref<6x1024x128xi32, #tpu.memory_space<vmem>>, vector<1x1024x128xi32>
    %swap3A_26 = vector.shape_cast %swap3A_25 : vector<1x1024x128xi32> to vector<1024x128xi32>
    %swap3A_27 = vector.shape_cast %broadcast_in_dim3A_21 : vector<1024x128xi32> to vector<1x1024x128xi32>
    tpu.vector_store %arg5[%swap3A_22, %swap3A_23, %swap3A_24], %swap3A_27 {strides = array<i32>} : memref<6x1024x128xi32, #tpu.memory_space<vmem>>, vector<1x1024x128xi32>,
    %broadcast_in_dim3A_28 = arith.constant 0x7F800000 : f32
    %broadcast_in_dim3A_29 = vector.broadcast %broadcast_in_dim3A_28 : f32 to vector<1024x128xf32>
    %swap3A_30 = arith.constant 1 : index
    %swap3A_31 = arith.constant 0 : index
    %swap3A_32 = arith.constant 0 : index
    %swap3A_33 = vector.load %arg4[%swap3A_30, %swap3A_31, %swap3A_32] : memref<6x1024x128xf32, #tpu.memory_space<vmem>>, vector<1x1024x128xf32>
    %swap3A_34 = vector.shape_cast %swap3A_33 : vector<1x1024x128xf32> to vector<1024x128xf32>
    %swap3A_35 = vector.shape_cast %broadcast_in_dim3A_29 : vector<1024x128xf32> to vector<1x1024x128xf32>
    tpu.vector_store %arg4[%swap3A_30, %swap3A_31, %swap3A_32], %swap3A_35 {strides = array<i32>} : memref<6x1024x128xf32, #tpu.memory_space<vmem>>, vector<1x1024x128xf32>,
    %broadcast_in_dim3A_36 = arith.constant 10240 : i32
    %broadcast_in_dim3A_37 = vector.broadcast %broadcast_in_dim3A_36 : i32 to vector<1024x128xi32>
    %swap3A_38 = arith.constant 1 : index
    %swap3A_39 = arith.constant 0 : index
    %swap3A_40 = arith.constant 0 : index
    %swap3A_41 = vector.load %arg5[%swap3A_38, %swap3A_39, %swap3A_40] : memref<6x1024x128xi32, #tpu.memory_space<vmem>>, vector<1x1024x128xi32>
    %swap3A_42 = vector.shape_cast %swap3A_41 : vector<1x1024x128xi32> to vector<1024x128xi32>
    %swap3A_43 = vector.shape_cast %broadcast_in_dim3A_37 : vector<1024x128xi32> to vector<1x1024x128xi32>
    tpu.vector_store %arg5[%swap3A_38, %swap3A_39, %swap3A_40], %swap3A_43 {strides = array<i32>} : memref<6x1024x128xi32, #tpu.memory_space<vmem>>, vector<1x1024x128xi32>,
    %broadcast_in_dim3A_44 = arith.constant 0x7F800000 : f32
    %broadcast_in_dim3A_45 = vector.broadcast %broadcast_in_dim3A_44 : f32 to vector<1024x128xf32>
    %swap3A_46 = arith.constant 2 : index
    %swap3A_47 = arith.constant 0 : index
    %swap3A_48 = arith.constant 0 : index
    %swap3A_49 = vector.load %arg4[%swap3A_46, %swap3A_47, %swap3A_48] : memref<6x1024x128xf32, #tpu.memory_space<vmem>>, vector<1x1024x128xf32>
    %swap3A_50 = vector.shape_cast %swap3A_49 : vector<1x1024x128xf32> to vector<1024x128xf32>
    %swap3A_51 = vector.shape_cast %broadcast_in_dim3A_45 : vector<1024x128xf32> to vector<1x1024x128xf32>
    tpu.vector_store %arg4[%swap3A_46, %swap3A_47, %swap3A_48], %swap3A_51 {strides = array<i32>} : memref<6x1024x128xf32, #tpu.memory_space<vmem>>, vector<1x1024x128xf32>,
    %broadcast_in_dim3A_52 = arith.constant 10240 : i32
    %broadcast_in_dim3A_53 = vector.broadcast %broadcast_in_dim3A_52 : i32 to vector<1024x128xi32>
    %swap3A_54 = arith.constant 2 : index
    %swap3A_55 = arith.constant 0 : index
    %swap3A_56 = arith.constant 0 : index
    %swap3A_57 = vector.load %arg5[%swap3A_54, %swap3A_55, %swap3A_56] : memref<6x1024x128xi32, #tpu.memory_space<vmem>>, vector<1x1024x128xi32>
    %swap3A_58 = vector.shape_cast %swap3A_57 : vector<1x1024x128xi32> to vector<1024x128xi32>
    %swap3A_59 = vector.shape_cast %broadcast_in_dim3A_53 : vector<1024x128xi32> to vector<1x1024x128xi32>
    tpu.vector_store %arg5[%swap3A_54, %swap3A_55, %swap3A_56], %swap3A_59 {strides = array<i32>} : memref<6x1024x128xi32, #tpu.memory_space<vmem>>, vector<1x1024x128xi32>,
    %broadcast_in_dim3A_60 = arith.constant 0x7F800000 : f32
    %broadcast_in_dim3A_61 = vector.broadcast %broadcast_in_dim3A_60 : f32 to vector<1024x128xf32>
    %swap3A_62 = arith.constant 3 : index
    %swap3A_63 = arith.constant 0 : index
    %swap3A_64 = arith.constant 0 : index
    %swap3A_65 = vector.load %arg4[%swap3A_62, %swap3A_63, %swap3A_64] : memref<6x1024x128xf32, #tpu.memory_space<vmem>>, vector<1x1024x128xf32>
    %swap3A_66 = vector.shape_cast %swap3A_65 : vector<1x1024x128xf32> to vector<1024x128xf32>
    %swap3A_67 = vector.shape_cast %broadcast_in_dim3A_61 : vector<1024x128xf32> to vector<1x1024x128xf32>
    tpu.vector_store %arg4[%swap3A_62, %swap3A_63, %swap3A_64], %swap3A_67 {strides = array<i32>} : memref<6x1024x128xf32, #tpu.memory_space<vmem>>, vector<1x1024x128xf32>,
    %broadcast_in_dim3A_68 = arith.constant 10240 : i32
    %broadcast_in_dim3A_69 = vector.broadcast %broadcast_in_dim3A_68 : i32 to vector<1024x128xi32>
    %swap3A_70 = arith.constant 3 : index
    %swap3A_71 = arith.constant 0 : index
    %swap3A_72 = arith.constant 0 : index
    %swap3A_73 = vector.load %arg5[%swap3A_70, %swap3A_71, %swap3A_72] : memref<6x1024x128xi32, #tpu.memory_space<vmem>>, vector<1x1024x128xi32>
    %swap3A_74 = vector.shape_cast %swap3A_73 : vector<1x1024x128xi32> to vector<1024x128xi32>
    %swap3A_75 = vector.shape_cast %broadcast_in_dim3A_69 : vector<1024x128xi32> to vector<1x1024x128xi32>
    tpu.vector_store %arg5[%swap3A_70, %swap3A_71, %swap3A_72], %swap3A_75 {strides = array<i32>} : memref<6x1024x128xi32, #tpu.memory_space<vmem>>, vector<1x1024x128xi32>,
    %broadcast_in_dim3A_76 = arith.constant 0x7F800000 : f32
    %broadcast_in_dim3A_77 = vector.broadcast %broadcast_in_dim3A_76 : f32 to vector<1024x128xf32>
    %swap3A_78 = arith.constant 4 : index
    %swap3A_79 = arith.constant 0 : index
    %swap3A_80 = arith.constant 0 : index
    %swap3A_81 = vector.load %arg4[%swap3A_78, %swap3A_79, %swap3A_80] : memref<6x1024x128xf32, #tpu.memory_space<vmem>>, vector<1x1024x128xf32>
    %swap3A_82 = vector.shape_cast %swap3A_81 : vector<1x1024x128xf32> to vector<1024x128xf32>
    %swap3A_83 = vector.shape_cast %broadcast_in_dim3A_77 : vector<1024x128xf32> to vector<1x1024x128xf32>
    tpu.vector_store %arg4[%swap3A_78, %swap3A_79, %swap3A_80], %swap3A_83 {strides = array<i32>} : memref<6x1024x128xf32, #tpu.memory_space<vmem>>, vector<1x1024x128xf32>,
    %broadcast_in_dim3A_84 = arith.constant 10240 : i32
    %broadcast_in_dim3A_85 = vector.broadcast %broadcast_in_dim3A_84 : i32 to vector<1024x128xi32>
    %swap3A_86 = arith.constant 4 : index
    %swap3A_87 = arith.constant 0 : index
    %swap3A_88 = arith.constant 0 : index
    %swap3A_89 = vector.load %arg5[%swap3A_86, %swap3A_87, %swap3A_88] : memref<6x1024x128xi32, #tpu.memory_space<vmem>>, vector<1x1024x128xi32>
    %swap3A_90 = vector.shape_cast %swap3A_89 : vector<1x1024x128xi32> to vector<1024x128xi32>
    %swap3A_91 = vector.shape_cast %broadcast_in_dim3A_85 : vector<1024x128xi32> to vector<1x1024x128xi32>
    tpu.vector_store %arg5[%swap3A_86, %swap3A_87, %swap3A_88], %swap3A_91 {strides = array<i32>} : memref<6x1024x128xi32, #tpu.memory_space<vmem>>, vector<1x1024x128xi32>,
    %broadcast_in_dim3A_92 = arith.constant 0x7F800000 : f32
    %broadcast_in_dim3A_93 = vector.broadcast %broadcast_in_dim3A_92 : f32 to vector<1024x128xf32>
    %swap3A_94 = arith.constant 5 : index
    %swap3A_95 = arith.constant 0 : index
    %swap3A_96 = arith.constant 0 : index
    %swap3A_97 = vector.load %arg4[%swap3A_94, %swap3A_95, %swap3A_96] : memref<6x1024x128xf32, #tpu.memory_space<vmem>>, vector<1x1024x128xf32>
    %swap3A_98 = vector.shape_cast %swap3A_97 : vector<1x1024x128xf32> to vector<1024x128xf32>
    %swap3A_99 = vector.shape_cast %broadcast_in_dim3A_93 : vector<1024x128xf32> to vector<1x1024x128xf32>
    tpu.vector_store %arg4[%swap3A_94, %swap3A_95, %swap3A_96], %swap3A_99 {strides = array<i32>} : memref<6x1024x128xf32, #tpu.memory_space<vmem>>, vector<1x1024x128xf32>,
    %broadcast_in_dim3A_100 = arith.constant 10240 : i32
    %broadcast_in_dim3A_101 = vector.broadcast %broadcast_in_dim3A_100 : i32 to vector<1024x128xi32>
    %swap3A_102 = arith.constant 5 : index
    %swap3A_103 = arith.constant 0 : index
    %swap3A_104 = arith.constant 0 : index
    %swap3A_105 = vector.load %arg5[%swap3A_102, %swap3A_103, %swap3A_104] : memref<6x1024x128xi32, #tpu.memory_space<vmem>>, vector<1x1024x128xi32>
    %swap3A_106 = vector.shape_cast %swap3A_105 : vector<1x1024x128xi32> to vector<1024x128xi32>
    %swap3A_107 = vector.shape_cast %broadcast_in_dim3A_101 : vector<1024x128xi32> to vector<1x1024x128xi32>
    tpu.vector_store %arg5[%swap3A_102, %swap3A_103, %swap3A_104], %swap3A_107 {strides = array<i32>} : memref<6x1024x128xi32, #tpu.memory_space<vmem>>, vector<1x1024x128xi32>,
    %scan3A = arith.constant 0 : i32
    %scan3A_108 = arith.constant 10 : i32
    %scan3A_109 = arith.addi %scan3A, %scan3A_108 : i32
    %scan3A_110 = arith.constant 1 : i32
    scf.for %scan3A_258 = %scan3A to %scan3A_109 step %scan3A_110  : i32 {
      %get3A_259 = arith.index_cast %scan3A_258 : i32 to index
      %get3A_260 = arith.constant 0 : index
      %get3A_261 = arith.constant 0 : index
      %get3A_262 = vector.load %arg2[%get3A_259, %get3A_260, %get3A_261] : memref<10x8x1024xf32, #tpu.memory_space<vmem>>, vector<1x8x1024xf32>
      %get3A_263 = vector.shape_cast %get3A_262 : vector<1x8x1024xf32> to vector<8x1024xf32>
      %slice3A = vector.extract_strided_slice %get3A_263 {offsets = [0, 0], sizes = [1, 1024], strides = [1, 1]} : vector<8x1024xf32> to vector<1x1024xf32>
      %mul3A_264 = vector.broadcast %get3A_1 : vector<1024x1xf32> to vector<1024x1024xf32>
      %mul3A_265 = vector.broadcast %slice3A : vector<1x1024xf32> to vector<1024x1024xf32>
      %mul3A_266 = arith.mulf %mul3A_264, %mul3A_265 : vector<1024x1024xf32>
      %slice3A_267 = vector.extract_strided_slice %get3A_263 {offsets = [1, 0], sizes = [1, 1024], strides = [1, 1]} : vector<8x1024xf32> to vector<1x1024xf32>
      %mul3A_268 = vector.broadcast %get3A_4 : vector<1024x1xf32> to vector<1024x1024xf32>
      %mul3A_269 = vector.broadcast %slice3A_267 : vector<1x1024xf32> to vector<1024x1024xf32>
      %mul3A_270 = arith.mulf %mul3A_268, %mul3A_269 : vector<1024x1024xf32>
      %add3A_271 = arith.addf %mul3A_266, %mul3A_270 : vector<1024x1024xf32>
      %slice3A_272 = vector.extract_strided_slice %get3A_263 {offsets = [2, 0], sizes = [1, 1024], strides = [1, 1]} : vector<8x1024xf32> to vector<1x1024xf32>
      %mul3A_273 = vector.broadcast %get3A_7 : vector<1024x1xf32> to vector<1024x1024xf32>
      %mul3A_274 = vector.broadcast %slice3A_272 : vector<1x1024xf32> to vector<1024x1024xf32>
      %mul3A_275 = arith.mulf %mul3A_273, %mul3A_274 : vector<1024x1024xf32>
      %add3A_276 = arith.addf %add3A_271, %mul3A_275 : vector<1024x1024xf32>
      %slice3A_277 = vector.extract_strided_slice %get3A_263 {offsets = [3, 0], sizes = [1, 1024], strides = [1, 1]} : vector<8x1024xf32> to vector<1x1024xf32>
      %add3A_278 = vector.broadcast %get3A_10 : vector<1024x1xf32> to vector<1024x1024xf32>
      %add3A_279 = vector.broadcast %slice3A_277 : vector<1x1024xf32> to vector<1024x1024xf32>
      %add3A_280 = arith.addf %add3A_278, %add3A_279 : vector<1024x1024xf32>
      %mul3A_281 = arith.constant 2.000000e+00 : f32
      %mul3A_282 = vector.broadcast %mul3A_281 : f32 to vector<1024x1024xf32>
      %mul3A_283 = arith.mulf %mul3A_282, %add3A_276 : vector<1024x1024xf32>
      %sub3A = arith.subf %add3A_280, %mul3A_283 : vector<1024x1024xf32>
      %mul3A_284 = arith.constant 1024 : i32
      %mul3A_285 = arith.muli %scan3A_258, %mul3A_284 : i32
      %add3A_286 = vector.broadcast %mul3A_285 : i32 to vector<1024x1024xi32>
      %add3A_287 = arith.addi %iota3A_13, %add3A_286 : vector<1024x1024xi32>
      %get3A_288 = arith.constant 0 : index
      %get3A_289 = arith.constant 0 : index
      %get3A_290 = arith.constant 0 : index
      %get3A_291 = vector.load %arg4[%get3A_288, %get3A_289, %get3A_290] : memref<6x1024x128xf32, #tpu.memory_space<vmem>>, vector<1x1024x128xf32>
      %get3A_292 = vector.shape_cast %get3A_291 : vector<1x1024x128xf32> to vector<1024x128xf32>
      %get3A_293 = arith.constant 1 : index
      %get3A_294 = arith.constant 0 : index
      %get3A_295 = arith.constant 0 : index
      %get3A_296 = vector.load %arg4[%get3A_293, %get3A_294, %get3A_295] : memref<6x1024x128xf32, #tpu.memory_space<vmem>>, vector<1x1024x128xf32>
      %get3A_297 = vector.shape_cast %get3A_296 : vector<1x1024x128xf32> to vector<1024x128xf32>
      %get3A_298 = arith.constant 2 : index
      %get3A_299 = arith.constant 0 : index
      %get3A_300 = arith.constant 0 : index
      %get3A_301 = vector.load %arg4[%get3A_298, %get3A_299, %get3A_300] : memref<6x1024x128xf32, #tpu.memory_space<vmem>>, vector<1x1024x128xf32>
      %get3A_302 = vector.shape_cast %get3A_301 : vector<1x1024x128xf32> to vector<1024x128xf32>
      %get3A_303 = arith.constant 3 : index
      %get3A_304 = arith.constant 0 : index
      %get3A_305 = arith.constant 0 : index
      %get3A_306 = vector.load %arg4[%get3A_303, %get3A_304, %get3A_305] : memref<6x1024x128xf32, #tpu.memory_space<vmem>>, vector<1x1024x128xf32>
      %get3A_307 = vector.shape_cast %get3A_306 : vector<1x1024x128xf32> to vector<1024x128xf32>
      %get3A_308 = arith.constant 4 : index
      %get3A_309 = arith.constant 0 : index
      %get3A_310 = arith.constant 0 : index
      %get3A_311 = vector.load %arg4[%get3A_308, %get3A_309, %get3A_310] : memref<6x1024x128xf32, #tpu.memory_space<vmem>>, vector<1x1024x128xf32>
      %get3A_312 = vector.shape_cast %get3A_311 : vector<1x1024x128xf32> to vector<1024x128xf32>
      %get3A_313 = arith.constant 5 : index
      %get3A_314 = arith.constant 0 : index
      %get3A_315 = arith.constant 0 : index
      %get3A_316 = vector.load %arg4[%get3A_313, %get3A_314, %get3A_315] : memref<6x1024x128xf32, #tpu.memory_space<vmem>>, vector<1x1024x128xf32>
      %get3A_317 = vector.shape_cast %get3A_316 : vector<1x1024x128xf32> to vector<1024x128xf32>
      %get3A_318 = arith.constant 0 : index
      %get3A_319 = arith.constant 0 : index
      %get3A_320 = arith.constant 0 : index
      %get3A_321 = vector.load %arg5[%get3A_318, %get3A_319, %get3A_320] : memref<6x1024x128xi32, #tpu.memory_space<vmem>>, vector<1x1024x128xi32>
      %get3A_322 = vector.shape_cast %get3A_321 : vector<1x1024x128xi32> to vector<1024x128xi32>
      %get3A_323 = arith.constant 1 : index
      %get3A_324 = arith.constant 0 : index
      %get3A_325 = arith.constant 0 : index
      %get3A_326 = vector.load %arg5[%get3A_323, %get3A_324, %get3A_325] : memref<6x1024x128xi32, #tpu.memory_space<vmem>>, vector<1x1024x128xi32>
      %get3A_327 = vector.shape_cast %get3A_326 : vector<1x1024x128xi32> to vector<1024x128xi32>
      %get3A_328 = arith.constant 2 : index
      %get3A_329 = arith.constant 0 : index
      %get3A_330 = arith.constant 0 : index
      %get3A_331 = vector.load %arg5[%get3A_328, %get3A_329, %get3A_330] : memref<6x1024x128xi32, #tpu.memory_space<vmem>>, vector<1x1024x128xi32>
      %get3A_332 = vector.shape_cast %get3A_331 : vector<1x1024x128xi32> to vector<1024x128xi32>
      %get3A_333 = arith.constant 3 : index
      %get3A_334 = arith.constant 0 : index
      %get3A_335 = arith.constant 0 : index
      %get3A_336 = vector.load %arg5[%get3A_333, %get3A_334, %get3A_335] : memref<6x1024x128xi32, #tpu.memory_space<vmem>>, vector<1x1024x128xi32>
      %get3A_337 = vector.shape_cast %get3A_336 : vector<1x1024x128xi32> to vector<1024x128xi32>
      %get3A_338 = arith.constant 4 : index
      %get3A_339 = arith.constant 0 : index
      %get3A_340 = arith.constant 0 : index
      %get3A_341 = vector.load %arg5[%get3A_338, %get3A_339, %get3A_340] : memref<6x1024x128xi32, #tpu.memory_space<vmem>>, vector<1x1024x128xi32>
      %get3A_342 = vector.shape_cast %get3A_341 : vector<1x1024x128xi32> to vector<1024x128xi32>
      %get3A_343 = arith.constant 5 : index
      %get3A_344 = arith.constant 0 : index
      %get3A_345 = arith.constant 0 : index
      %get3A_346 = vector.load %arg5[%get3A_343, %get3A_344, %get3A_345] : memref<6x1024x128xi32, #tpu.memory_space<vmem>>, vector<1x1024x128xi32>
      %get3A_347 = vector.shape_cast %get3A_346 : vector<1x1024x128xi32> to vector<1024x128xi32>
      %slice3A_348 = vector.extract_strided_slice %sub3A {offsets = [0, 0], sizes = [1024, 128], strides = [1, 1]} : vector<1024x1024xf32> to vector<1024x128xf32>
      %slice3A_349 = vector.extract_strided_slice %add3A_287 {offsets = [0, 0], sizes = [1024, 128], strides = [1, 1]} : vector<1024x1024xi32> to vector<1024x128xi32>
      %lt3A = arith.cmpf olt, %slice3A_348, %get3A_292 : vector<1024x128xf32>
      %select_n3A_350 = arith.select %lt3A, %slice3A_348, %get3A_292 : vector<1024x128xi1>, vector<1024x128xf32>
      %select_n3A_351 = arith.select %lt3A, %get3A_292, %slice3A_348 : vector<1024x128xi1>, vector<1024x128xf32>
      %select_n3A_352 = arith.select %lt3A, %slice3A_349, %get3A_322 : vector<1024x128xi1>, vector<1024x128xi32>
      %select_n3A_353 = arith.select %lt3A, %get3A_322, %slice3A_349 : vector<1024x128xi1>, vector<1024x128xi32>
      %lt3A_354 = arith.cmpf olt, %select_n3A_351, %get3A_297 : vector<1024x128xf32>
      %select_n3A_355 = arith.select %lt3A_354, %select_n3A_351, %get3A_297 : vector<1024x128xi1>, vector<1024x128xf32>
      %select_n3A_356 = arith.select %lt3A_354, %get3A_297, %select_n3A_351 : vector<1024x128xi1>, vector<1024x128xf32>
      %select_n3A_357 = arith.select %lt3A_354, %select_n3A_353, %get3A_327 : vector<1024x128xi1>, vector<1024x128xi32>
      %select_n3A_358 = arith.select %lt3A_354, %get3A_327, %select_n3A_353 : vector<1024x128xi1>, vector<1024x128xi32>
      %lt3A_359 = arith.cmpf olt, %select_n3A_356, %get3A_302 : vector<1024x128xf32>
      %select_n3A_360 = arith.select %lt3A_359, %select_n3A_356, %get3A_302 : vector<1024x128xi1>, vector<1024x128xf32>
      %select_n3A_361 = arith.select %lt3A_359, %get3A_302, %select_n3A_356 : vector<1024x128xi1>, vector<1024x128xf32>
      %select_n3A_362 = arith.select %lt3A_359, %select_n3A_358, %get3A_332 : vector<1024x128xi1>, vector<1024x128xi32>
      %select_n3A_363 = arith.select %lt3A_359, %get3A_332, %select_n3A_358 : vector<1024x128xi1>, vector<1024x128xi32>
      %lt3A_364 = arith.cmpf olt, %select_n3A_361, %get3A_307 : vector<1024x128xf32>
      %select_n3A_365 = arith.select %lt3A_364, %select_n3A_361, %get3A_307 : vector<1024x128xi1>, vector<1024x128xf32>
      %select_n3A_366 = arith.select %lt3A_364, %get3A_307, %select_n3A_361 : vector<1024x128xi1>, vector<1024x128xf32>
      %select_n3A_367 = arith.select %lt3A_364, %select_n3A_363, %get3A_337 : vector<1024x128xi1>, vector<1024x128xi32>
      %select_n3A_368 = arith.select %lt3A_364, %get3A_337, %select_n3A_363 : vector<1024x128xi1>, vector<1024x128xi32>
      %lt3A_369 = arith.cmpf olt, %select_n3A_366, %get3A_312 : vector<1024x128xf32>
      %select_n3A_370 = arith.select %lt3A_369, %select_n3A_366, %get3A_312 : vector<1024x128xi1>, vector<1024x128xf32>
      %select_n3A_371 = arith.select %lt3A_369, %get3A_312, %select_n3A_366 : vector<1024x128xi1>, vector<1024x128xf32>
      %select_n3A_372 = arith.select %lt3A_369, %select_n3A_368, %get3A_342 : vector<1024x128xi1>, vector<1024x128xi32>
      %select_n3A_373 = arith.select %lt3A_369, %get3A_342, %select_n3A_368 : vector<1024x128xi1>, vector<1024x128xi32>
      %lt3A_374 = arith.cmpf olt, %select_n3A_371, %get3A_317 : vector<1024x128xf32>
      %select_n3A_375 = arith.select %lt3A_374, %select_n3A_371, %get3A_317 : vector<1024x128xi1>, vector<1024x128xf32>
      %select_n3A_376 = arith.select %lt3A_374, %select_n3A_373, %get3A_347 : vector<1024x128xi1>, vector<1024x128xi32>
      %slice3A_377 = vector.extract_strided_slice %sub3A {offsets = [0, 128], sizes = [1024, 128], strides = [1, 1]} : vector<1024x1024xf32> to vector<1024x128xf32>
      %slice3A_378 = vector.extract_strided_slice %add3A_287 {offsets = [0, 128], sizes = [1024, 128], strides = [1, 1]} : vector<1024x1024xi32> to vector<1024x128xi32>
      %lt3A_379 = arith.cmpf olt, %slice3A_377, %select_n3A_350 : vector<1024x128xf32>
      %select_n3A_380 = arith.select %lt3A_379, %slice3A_377, %select_n3A_350 : vector<1024x128xi1>, vector<1024x128xf32>
      %select_n3A_381 = arith.select %lt3A_379, %select_n3A_350, %slice3A_377 : vector<1024x128xi1>, vector<1024x128xf32>
      %select_n3A_382 = arith.select %lt3A_379, %slice3A_378, %select_n3A_352 : vector<1024x128xi1>, vector<1024x128xi32>
      %select_n3A_383 = arith.select %lt3A_379, %select_n3A_352, %slice3A_378 : vector<1024x128xi1>, vector<1024x128xi32>
      %lt3A_384 = arith.cmpf olt, %select_n3A_381, %select_n3A_355 : vector<1024x128xf32>
      %select_n3A_385 = arith.select %lt3A_384, %select_n3A_381, %select_n3A_355 : vector<1024x128xi1>, vector<1024x128xf32>
      %select_n3A_386 = arith.select %lt3A_384, %select_n3A_355, %select_n3A_381 : vector<1024x128xi1>, vector<1024x128xf32>
      %select_n3A_387 = arith.select %lt3A_384, %select_n3A_383, %select_n3A_357 : vector<1024x128xi1>, vector<1024x128xi32>
      %select_n3A_388 = arith.select %lt3A_384, %select_n3A_357, %select_n3A_383 : vector<1024x128xi1>, vector<1024x128xi32>
      %lt3A_389 = arith.cmpf olt, %select_n3A_386, %select_n3A_360 : vector<1024x128xf32>
      %select_n3A_390 = arith.select %lt3A_389, %select_n3A_386, %select_n3A_360 : vector<1024x128xi1>, vector<1024x128xf32>
      %select_n3A_391 = arith.select %lt3A_389, %select_n3A_360, %select_n3A_386 : vector<1024x128xi1>, vector<1024x128xf32>
      %select_n3A_392 = arith.select %lt3A_389, %select_n3A_388, %select_n3A_362 : vector<1024x128xi1>, vector<1024x128xi32>
      %select_n3A_393 = arith.select %lt3A_389, %select_n3A_362, %select_n3A_388 : vector<1024x128xi1>, vector<1024x128xi32>
      %lt3A_394 = arith.cmpf olt, %select_n3A_391, %select_n3A_365 : vector<1024x128xf32>
      %select_n3A_395 = arith.select %lt3A_394, %select_n3A_391, %select_n3A_365 : vector<1024x128xi1>, vector<1024x128xf32>
      %select_n3A_396 = arith.select %lt3A_394, %select_n3A_365, %select_n3A_391 : vector<1024x128xi1>, vector<1024x128xf32>
      %select_n3A_397 = arith.select %lt3A_394, %select_n3A_393, %select_n3A_367 : vector<1024x128xi1>, vector<1024x128xi32>
      %select_n3A_398 = arith.select %lt3A_394, %select_n3A_367, %select_n3A_393 : vector<1024x128xi1>, vector<1024x128xi32>
      %lt3A_399 = arith.cmpf olt, %select_n3A_396, %select_n3A_370 : vector<1024x128xf32>
      %select_n3A_400 = arith.select %lt3A_399, %select_n3A_396, %select_n3A_370 : vector<1024x128xi1>, vector<1024x128xf32>
      %select_n3A_401 = arith.select %lt3A_399, %select_n3A_370, %select_n3A_396 : vector<1024x128xi1>, vector<1024x128xf32>
      %select_n3A_402 = arith.select %lt3A_399, %select_n3A_398, %select_n3A_372 : vector<1024x128xi1>, vector<1024x128xi32>
      %select_n3A_403 = arith.select %lt3A_399, %select_n3A_372, %select_n3A_398 : vector<1024x128xi1>, vector<1024x128xi32>
      %lt3A_404 = arith.cmpf olt, %select_n3A_401, %select_n3A_375 : vector<1024x128xf32>
      %select_n3A_405 = arith.select %lt3A_404, %select_n3A_401, %select_n3A_375 : vector<1024x128xi1>, vector<1024x128xf32>
      %select_n3A_406 = arith.select %lt3A_404, %select_n3A_403, %select_n3A_376 : vector<1024x128xi1>, vector<1024x128xi32>
      %slice3A_407 = vector.extract_strided_slice %sub3A {offsets = [0, 256], sizes = [1024, 128], strides = [1, 1]} : vector<1024x1024xf32> to vector<1024x128xf32>
      %slice3A_408 = vector.extract_strided_slice %add3A_287 {offsets = [0, 256], sizes = [1024, 128], strides = [1, 1]} : vector<1024x1024xi32> to vector<1024x128xi32>
      %lt3A_409 = arith.cmpf olt, %slice3A_407, %select_n3A_380 : vector<1024x128xf32>
      %select_n3A_410 = arith.select %lt3A_409, %slice3A_407, %select_n3A_380 : vector<1024x128xi1>, vector<1024x128xf32>
      %select_n3A_411 = arith.select %lt3A_409, %select_n3A_380, %slice3A_407 : vector<1024x128xi1>, vector<1024x128xf32>
      %select_n3A_412 = arith.select %lt3A_409, %slice3A_408, %select_n3A_382 : vector<1024x128xi1>, vector<1024x128xi32>
      %select_n3A_413 = arith.select %lt3A_409, %select_n3A_382, %slice3A_408 : vector<1024x128xi1>, vector<1024x128xi32>
      %lt3A_414 = arith.cmpf olt, %select_n3A_411, %select_n3A_385 : vector<1024x128xf32>
      %select_n3A_415 = arith.select %lt3A_414, %select_n3A_411, %select_n3A_385 : vector<1024x128xi1>, vector<1024x128xf32>
      %select_n3A_416 = arith.select %lt3A_414, %select_n3A_385, %select_n3A_411 : vector<1024x128xi1>, vector<1024x128xf32>
      %select_n3A_417 = arith.select %lt3A_414, %select_n3A_413, %select_n3A_387 : vector<1024x128xi1>, vector<1024x128xi32>
      %select_n3A_418 = arith.select %lt3A_414, %select_n3A_387, %select_n3A_413 : vector<1024x128xi1>, vector<1024x128xi32>
      %lt3A_419 = arith.cmpf olt, %select_n3A_416, %select_n3A_390 : vector<1024x128xf32>
      %select_n3A_420 = arith.select %lt3A_419, %select_n3A_416, %select_n3A_390 : vector<1024x128xi1>, vector<1024x128xf32>
      %select_n3A_421 = arith.select %lt3A_419, %select_n3A_390, %select_n3A_416 : vector<1024x128xi1>, vector<1024x128xf32>
      %select_n3A_422 = arith.select %lt3A_419, %select_n3A_418, %select_n3A_392 : vector<1024x128xi1>, vector<1024x128xi32>
      %select_n3A_423 = arith.select %lt3A_419, %select_n3A_392, %select_n3A_418 : vector<1024x128xi1>, vector<1024x128xi32>
      %lt3A_424 = arith.cmpf olt, %select_n3A_421, %select_n3A_395 : vector<1024x128xf32>
      %select_n3A_425 = arith.select %lt3A_424, %select_n3A_421, %select_n3A_395 : vector<1024x128xi1>, vector<1024x128xf32>
      %select_n3A_426 = arith.select %lt3A_424, %select_n3A_395, %select_n3A_421 : vector<1024x128xi1>, vector<1024x128xf32>
      %select_n3A_427 = arith.select %lt3A_424, %select_n3A_423, %select_n3A_397 : vector<1024x128xi1>, vector<1024x128xi32>
      %select_n3A_428 = arith.select %lt3A_424, %select_n3A_397, %select_n3A_423 : vector<1024x128xi1>, vector<1024x128xi32>
      %lt3A_429 = arith.cmpf olt, %select_n3A_426, %select_n3A_400 : vector<1024x128xf32>
      %select_n3A_430 = arith.select %lt3A_429, %select_n3A_426, %select_n3A_400 : vector<1024x128xi1>, vector<1024x128xf32>
      %select_n3A_431 = arith.select %lt3A_429, %select_n3A_400, %select_n3A_426 : vector<1024x128xi1>, vector<1024x128xf32>
      %select_n3A_432 = arith.select %lt3A_429, %select_n3A_428, %select_n3A_402 : vector<1024x128xi1>, vector<1024x128xi32>
      %select_n3A_433 = arith.select %lt3A_429, %select_n3A_402, %select_n3A_428 : vector<1024x128xi1>, vector<1024x128xi32>
      %lt3A_434 = arith.cmpf olt, %select_n3A_431, %select_n3A_405 : vector<1024x128xf32>
      %select_n3A_435 = arith.select %lt3A_434, %select_n3A_431, %select_n3A_405 : vector<1024x128xi1>, vector<1024x128xf32>
      %select_n3A_436 = arith.select %lt3A_434, %select_n3A_433, %select_n3A_406 : vector<1024x128xi1>, vector<1024x128xi32>
      %slice3A_437 = vector.extract_strided_slice %sub3A {offsets = [0, 384], sizes = [1024, 128], strides = [1, 1]} : vector<1024x1024xf32> to vector<1024x128xf32>
      %slice3A_438 = vector.extract_strided_slice %add3A_287 {offsets = [0, 384], sizes = [1024, 128], strides = [1, 1]} : vector<1024x1024xi32> to vector<1024x128xi32>
      %lt3A_439 = arith.cmpf olt, %slice3A_437, %select_n3A_410 : vector<1024x128xf32>
      %select_n3A_440 = arith.select %lt3A_439, %slice3A_437, %select_n3A_410 : vector<1024x128xi1>, vector<1024x128xf32>
      %select_n3A_441 = arith.select %lt3A_439, %select_n3A_410, %slice3A_437 : vector<1024x128xi1>, vector<1024x128xf32>
      %select_n3A_442 = arith.select %lt3A_439, %slice3A_438, %select_n3A_412 : vector<1024x128xi1>, vector<1024x128xi32>
      %select_n3A_443 = arith.select %lt3A_439, %select_n3A_412, %slice3A_438 : vector<1024x128xi1>, vector<1024x128xi32>
      %lt3A_444 = arith.cmpf olt, %select_n3A_441, %select_n3A_415 : vector<1024x128xf32>
      %select_n3A_445 = arith.select %lt3A_444, %select_n3A_441, %select_n3A_415 : vector<1024x128xi1>, vector<1024x128xf32>
      %select_n3A_446 = arith.select %lt3A_444, %select_n3A_415, %select_n3A_441 : vector<1024x128xi1>, vector<1024x128xf32>
      %select_n3A_447 = arith.select %lt3A_444, %select_n3A_443, %select_n3A_417 : vector<1024x128xi1>, vector<1024x128xi32>
      %select_n3A_448 = arith.select %lt3A_444, %select_n3A_417, %select_n3A_443 : vector<1024x128xi1>, vector<1024x128xi32>
      %lt3A_449 = arith.cmpf olt, %select_n3A_446, %select_n3A_420 : vector<1024x128xf32>
      %select_n3A_450 = arith.select %lt3A_449, %select_n3A_446, %select_n3A_420 : vector<1024x128xi1>, vector<1024x128xf32>
      %select_n3A_451 = arith.select %lt3A_449, %select_n3A_420, %select_n3A_446 : vector<1024x128xi1>, vector<1024x128xf32>
      %select_n3A_452 = arith.select %lt3A_449, %select_n3A_448, %select_n3A_422 : vector<1024x128xi1>, vector<1024x128xi32>
      %select_n3A_453 = arith.select %lt3A_449, %select_n3A_422, %select_n3A_448 : vector<1024x128xi1>, vector<1024x128xi32>
      %lt3A_454 = arith.cmpf olt, %select_n3A_451, %select_n3A_425 : vector<1024x128xf32>
      %select_n3A_455 = arith.select %lt3A_454, %select_n3A_451, %select_n3A_425 : vector<1024x128xi1>, vector<1024x128xf32>
      %select_n3A_456 = arith.select %lt3A_454, %select_n3A_425, %select_n3A_451 : vector<1024x128xi1>, vector<1024x128xf32>
      %select_n3A_457 = arith.select %lt3A_454, %select_n3A_453, %select_n3A_427 : vector<1024x128xi1>, vector<1024x128xi32>
      %select_n3A_458 = arith.select %lt3A_454, %select_n3A_427, %select_n3A_453 : vector<1024x128xi1>, vector<1024x128xi32>
      %lt3A_459 = arith.cmpf olt, %select_n3A_456, %select_n3A_430 : vector<1024x128xf32>
      %select_n3A_460 = arith.select %lt3A_459, %select_n3A_456, %select_n3A_430 : vector<1024x128xi1>, vector<1024x128xf32>
      %select_n3A_461 = arith.select %lt3A_459, %select_n3A_430, %select_n3A_456 : vector<1024x128xi1>, vector<1024x128xf32>
      %select_n3A_462 = arith.select %lt3A_459, %select_n3A_458, %select_n3A_432 : vector<1024x128xi1>, vector<1024x128xi32>
      %select_n3A_463 = arith.select %lt3A_459, %select_n3A_432, %select_n3A_458 : vector<1024x128xi1>, vector<1024x128xi32>
      %lt3A_464 = arith.cmpf olt, %select_n3A_461, %select_n3A_435 : vector<1024x128xf32>
      %select_n3A_465 = arith.select %lt3A_464, %select_n3A_461, %select_n3A_435 : vector<1024x128xi1>, vector<1024x128xf32>
      %select_n3A_466 = arith.select %lt3A_464, %select_n3A_463, %select_n3A_436 : vector<1024x128xi1>, vector<1024x128xi32>
      %slice3A_467 = vector.extract_strided_slice %sub3A {offsets = [0, 512], sizes = [1024, 128], strides = [1, 1]} : vector<1024x1024xf32> to vector<1024x128xf32>
      %slice3A_468 = vector.extract_strided_slice %add3A_287 {offsets = [0, 512], sizes = [1024, 128], strides = [1, 1]} : vector<1024x1024xi32> to vector<1024x128xi32>
      %lt3A_469 = arith.cmpf olt, %slice3A_467, %select_n3A_440 : vector<1024x128xf32>
      %select_n3A_470 = arith.select %lt3A_469, %slice3A_467, %select_n3A_440 : vector<1024x128xi1>, vector<1024x128xf32>
      %select_n3A_471 = arith.select %lt3A_469, %select_n3A_440, %slice3A_467 : vector<1024x128xi1>, vector<1024x128xf32>
      %select_n3A_472 = arith.select %lt3A_469, %slice3A_468, %select_n3A_442 : vector<1024x128xi1>, vector<1024x128xi32>
      %select_n3A_473 = arith.select %lt3A_469, %select_n3A_442, %slice3A_468 : vector<1024x128xi1>, vector<1024x128xi32>
      %lt3A_474 = arith.cmpf olt, %select_n3A_471, %select_n3A_445 : vector<1024x128xf32>
      %select_n3A_475 = arith.select %lt3A_474, %select_n3A_471, %select_n3A_445 : vector<1024x128xi1>, vector<1024x128xf32>
      %select_n3A_476 = arith.select %lt3A_474, %select_n3A_445, %select_n3A_471 : vector<1024x128xi1>, vector<1024x128xf32>
      %select_n3A_477 = arith.select %lt3A_474, %select_n3A_473, %select_n3A_447 : vector<1024x128xi1>, vector<1024x128xi32>
      %select_n3A_478 = arith.select %lt3A_474, %select_n3A_447, %select_n3A_473 : vector<1024x128xi1>, vector<1024x128xi32>
      %lt3A_479 = arith.cmpf olt, %select_n3A_476, %select_n3A_450 : vector<1024x128xf32>
      %select_n3A_480 = arith.select %lt3A_479, %select_n3A_476, %select_n3A_450 : vector<1024x128xi1>, vector<1024x128xf32>
      %select_n3A_481 = arith.select %lt3A_479, %select_n3A_450, %select_n3A_476 : vector<1024x128xi1>, vector<1024x128xf32>
      %select_n3A_482 = arith.select %lt3A_479, %select_n3A_478, %select_n3A_452 : vector<1024x128xi1>, vector<1024x128xi32>
      %select_n3A_483 = arith.select %lt3A_479, %select_n3A_452, %select_n3A_478 : vector<1024x128xi1>, vector<1024x128xi32>
      %lt3A_484 = arith.cmpf olt, %select_n3A_481, %select_n3A_455 : vector<1024x128xf32>
      %select_n3A_485 = arith.select %lt3A_484, %select_n3A_481, %select_n3A_455 : vector<1024x128xi1>, vector<1024x128xf32>
      %select_n3A_486 = arith.select %lt3A_484, %select_n3A_455, %select_n3A_481 : vector<1024x128xi1>, vector<1024x128xf32>
      %select_n3A_487 = arith.select %lt3A_484, %select_n3A_483, %select_n3A_457 : vector<1024x128xi1>, vector<1024x128xi32>
      %select_n3A_488 = arith.select %lt3A_484, %select_n3A_457, %select_n3A_483 : vector<1024x128xi1>, vector<1024x128xi32>
      %lt3A_489 = arith.cmpf olt, %select_n3A_486, %select_n3A_460 : vector<1024x128xf32>
      %select_n3A_490 = arith.select %lt3A_489, %select_n3A_486, %select_n3A_460 : vector<1024x128xi1>, vector<1024x128xf32>
      %select_n3A_491 = arith.select %lt3A_489, %select_n3A_460, %select_n3A_486 : vector<1024x128xi1>, vector<1024x128xf32>
      %select_n3A_492 = arith.select %lt3A_489, %select_n3A_488, %select_n3A_462 : vector<1024x128xi1>, vector<1024x128xi32>
      %select_n3A_493 = arith.select %lt3A_489, %select_n3A_462, %select_n3A_488 : vector<1024x128xi1>, vector<1024x128xi32>
      %lt3A_494 = arith.cmpf olt, %select_n3A_491, %select_n3A_465 : vector<1024x128xf32>
      %select_n3A_495 = arith.select %lt3A_494, %select_n3A_491, %select_n3A_465 : vector<1024x128xi1>, vector<1024x128xf32>
      %select_n3A_496 = arith.select %lt3A_494, %select_n3A_493, %select_n3A_466 : vector<1024x128xi1>, vector<1024x128xi32>
      %slice3A_497 = vector.extract_strided_slice %sub3A {offsets = [0, 640], sizes = [1024, 128], strides = [1, 1]} : vector<1024x1024xf32> to vector<1024x128xf32>
      %slice3A_498 = vector.extract_strided_slice %add3A_287 {offsets = [0, 640], sizes = [1024, 128], strides = [1, 1]} : vector<1024x1024xi32> to vector<1024x128xi32>
      %lt3A_499 = arith.cmpf olt, %slice3A_497, %select_n3A_470 : vector<1024x128xf32>
      %select_n3A_500 = arith.select %lt3A_499, %slice3A_497, %select_n3A_470 : vector<1024x128xi1>, vector<1024x128xf32>
      %select_n3A_501 = arith.select %lt3A_499, %select_n3A_470, %slice3A_497 : vector<1024x128xi1>, vector<1024x128xf32>
      %select_n3A_502 = arith.select %lt3A_499, %slice3A_498, %select_n3A_472 : vector<1024x128xi1>, vector<1024x128xi32>
      %select_n3A_503 = arith.select %lt3A_499, %select_n3A_472, %slice3A_498 : vector<1024x128xi1>, vector<1024x128xi32>
      %lt3A_504 = arith.cmpf olt, %select_n3A_501, %select_n3A_475 : vector<1024x128xf32>
      %select_n3A_505 = arith.select %lt3A_504, %select_n3A_501, %select_n3A_475 : vector<1024x128xi1>, vector<1024x128xf32>
      %select_n3A_506 = arith.select %lt3A_504, %select_n3A_475, %select_n3A_501 : vector<1024x128xi1>, vector<1024x128xf32>
      %select_n3A_507 = arith.select %lt3A_504, %select_n3A_503, %select_n3A_477 : vector<1024x128xi1>, vector<1024x128xi32>
      %select_n3A_508 = arith.select %lt3A_504, %select_n3A_477, %select_n3A_503 : vector<1024x128xi1>, vector<1024x128xi32>
      %lt3A_509 = arith.cmpf olt, %select_n3A_506, %select_n3A_480 : vector<1024x128xf32>
      %select_n3A_510 = arith.select %lt3A_509, %select_n3A_506, %select_n3A_480 : vector<1024x128xi1>, vector<1024x128xf32>
      %select_n3A_511 = arith.select %lt3A_509, %select_n3A_480, %select_n3A_506 : vector<1024x128xi1>, vector<1024x128xf32>
      %select_n3A_512 = arith.select %lt3A_509, %select_n3A_508, %select_n3A_482 : vector<1024x128xi1>, vector<1024x128xi32>
      %select_n3A_513 = arith.select %lt3A_509, %select_n3A_482, %select_n3A_508 : vector<1024x128xi1>, vector<1024x128xi32>
      %lt3A_514 = arith.cmpf olt, %select_n3A_511, %select_n3A_485 : vector<1024x128xf32>
      %select_n3A_515 = arith.select %lt3A_514, %select_n3A_511, %select_n3A_485 : vector<1024x128xi1>, vector<1024x128xf32>
      %select_n3A_516 = arith.select %lt3A_514, %select_n3A_485, %select_n3A_511 : vector<1024x128xi1>, vector<1024x128xf32>
      %select_n3A_517 = arith.select %lt3A_514, %select_n3A_513, %select_n3A_487 : vector<1024x128xi1>, vector<1024x128xi32>
      %select_n3A_518 = arith.select %lt3A_514, %select_n3A_487, %select_n3A_513 : vector<1024x128xi1>, vector<1024x128xi32>
      %lt3A_519 = arith.cmpf olt, %select_n3A_516, %select_n3A_490 : vector<1024x128xf32>
      %select_n3A_520 = arith.select %lt3A_519, %select_n3A_516, %select_n3A_490 : vector<1024x128xi1>, vector<1024x128xf32>
      %select_n3A_521 = arith.select %lt3A_519, %select_n3A_490, %select_n3A_516 : vector<1024x128xi1>, vector<1024x128xf32>
      %select_n3A_522 = arith.select %lt3A_519, %select_n3A_518, %select_n3A_492 : vector<1024x128xi1>, vector<1024x128xi32>
      %select_n3A_523 = arith.select %lt3A_519, %select_n3A_492, %select_n3A_518 : vector<1024x128xi1>, vector<1024x128xi32>
      %lt3A_524 = arith.cmpf olt, %select_n3A_521, %select_n3A_495 : vector<1024x128xf32>
      %select_n3A_525 = arith.select %lt3A_524, %select_n3A_521, %select_n3A_495 : vector<1024x128xi1>, vector<1024x128xf32>
      %select_n3A_526 = arith.select %lt3A_524, %select_n3A_523, %select_n3A_496 : vector<1024x128xi1>, vector<1024x128xi32>
      %slice3A_527 = vector.extract_strided_slice %sub3A {offsets = [0, 768], sizes = [1024, 128], strides = [1, 1]} : vector<1024x1024xf32> to vector<1024x128xf32>
      %slice3A_528 = vector.extract_strided_slice %add3A_287 {offsets = [0, 768], sizes = [1024, 128], strides = [1, 1]} : vector<1024x1024xi32> to vector<1024x128xi32>
      %lt3A_529 = arith.cmpf olt, %slice3A_527, %select_n3A_500 : vector<1024x128xf32>
      %select_n3A_530 = arith.select %lt3A_529, %slice3A_527, %select_n3A_500 : vector<1024x128xi1>, vector<1024x128xf32>
      %select_n3A_531 = arith.select %lt3A_529, %select_n3A_500, %slice3A_527 : vector<1024x128xi1>, vector<1024x128xf32>
      %select_n3A_532 = arith.select %lt3A_529, %slice3A_528, %select_n3A_502 : vector<1024x128xi1>, vector<1024x128xi32>
      %select_n3A_533 = arith.select %lt3A_529, %select_n3A_502, %slice3A_528 : vector<1024x128xi1>, vector<1024x128xi32>
      %lt3A_534 = arith.cmpf olt, %select_n3A_531, %select_n3A_505 : vector<1024x128xf32>
      %select_n3A_535 = arith.select %lt3A_534, %select_n3A_531, %select_n3A_505 : vector<1024x128xi1>, vector<1024x128xf32>
      %select_n3A_536 = arith.select %lt3A_534, %select_n3A_505, %select_n3A_531 : vector<1024x128xi1>, vector<1024x128xf32>
      %select_n3A_537 = arith.select %lt3A_534, %select_n3A_533, %select_n3A_507 : vector<1024x128xi1>, vector<1024x128xi32>
      %select_n3A_538 = arith.select %lt3A_534, %select_n3A_507, %select_n3A_533 : vector<1024x128xi1>, vector<1024x128xi32>
      %lt3A_539 = arith.cmpf olt, %select_n3A_536, %select_n3A_510 : vector<1024x128xf32>
      %select_n3A_540 = arith.select %lt3A_539, %select_n3A_536, %select_n3A_510 : vector<1024x128xi1>, vector<1024x128xf32>
      %select_n3A_541 = arith.select %lt3A_539, %select_n3A_510, %select_n3A_536 : vector<1024x128xi1>, vector<1024x128xf32>
      %select_n3A_542 = arith.select %lt3A_539, %select_n3A_538, %select_n3A_512 : vector<1024x128xi1>, vector<1024x128xi32>
      %select_n3A_543 = arith.select %lt3A_539, %select_n3A_512, %select_n3A_538 : vector<1024x128xi1>, vector<1024x128xi32>
      %lt3A_544 = arith.cmpf olt, %select_n3A_541, %select_n3A_515 : vector<1024x128xf32>
      %select_n3A_545 = arith.select %lt3A_544, %select_n3A_541, %select_n3A_515 : vector<1024x128xi1>, vector<1024x128xf32>
      %select_n3A_546 = arith.select %lt3A_544, %select_n3A_515, %select_n3A_541 : vector<1024x128xi1>, vector<1024x128xf32>
      %select_n3A_547 = arith.select %lt3A_544, %select_n3A_543, %select_n3A_517 : vector<1024x128xi1>, vector<1024x128xi32>
      %select_n3A_548 = arith.select %lt3A_544, %select_n3A_517, %select_n3A_543 : vector<1024x128xi1>, vector<1024x128xi32>
      %lt3A_549 = arith.cmpf olt, %select_n3A_546, %select_n3A_520 : vector<1024x128xf32>
      %select_n3A_550 = arith.select %lt3A_549, %select_n3A_546, %select_n3A_520 : vector<1024x128xi1>, vector<1024x128xf32>
      %select_n3A_551 = arith.select %lt3A_549, %select_n3A_520, %select_n3A_546 : vector<1024x128xi1>, vector<1024x128xf32>
      %select_n3A_552 = arith.select %lt3A_549, %select_n3A_548, %select_n3A_522 : vector<1024x128xi1>, vector<1024x128xi32>
      %select_n3A_553 = arith.select %lt3A_549, %select_n3A_522, %select_n3A_548 : vector<1024x128xi1>, vector<1024x128xi32>
      %lt3A_554 = arith.cmpf olt, %select_n3A_551, %select_n3A_525 : vector<1024x128xf32>
      %select_n3A_555 = arith.select %lt3A_554, %select_n3A_551, %select_n3A_525 : vector<1024x128xi1>, vector<1024x128xf32>
      %select_n3A_556 = arith.select %lt3A_554, %select_n3A_553, %select_n3A_526 : vector<1024x128xi1>, vector<1024x128xi32>
      %slice3A_557 = vector.extract_strided_slice %sub3A {offsets = [0, 896], sizes = [1024, 128], strides = [1, 1]} : vector<1024x1024xf32> to vector<1024x128xf32>
      %slice3A_558 = vector.extract_strided_slice %add3A_287 {offsets = [0, 896], sizes = [1024, 128], strides = [1, 1]} : vector<1024x1024xi32> to vector<1024x128xi32>
      %lt3A_559 = arith.cmpf olt, %slice3A_557, %select_n3A_530 : vector<1024x128xf32>
      %select_n3A_560 = arith.select %lt3A_559, %slice3A_557, %select_n3A_530 : vector<1024x128xi1>, vector<1024x128xf32>
      %select_n3A_561 = arith.select %lt3A_559, %select_n3A_530, %slice3A_557 : vector<1024x128xi1>, vector<1024x128xf32>
      %select_n3A_562 = arith.select %lt3A_559, %slice3A_558, %select_n3A_532 : vector<1024x128xi1>, vector<1024x128xi32>
      %select_n3A_563 = arith.select %lt3A_559, %select_n3A_532, %slice3A_558 : vector<1024x128xi1>, vector<1024x128xi32>
      %lt3A_564 = arith.cmpf olt, %select_n3A_561, %select_n3A_535 : vector<1024x128xf32>
      %select_n3A_565 = arith.select %lt3A_564, %select_n3A_561, %select_n3A_535 : vector<1024x128xi1>, vector<1024x128xf32>
      %select_n3A_566 = arith.select %lt3A_564, %select_n3A_535, %select_n3A_561 : vector<1024x128xi1>, vector<1024x128xf32>
      %select_n3A_567 = arith.select %lt3A_564, %select_n3A_563, %select_n3A_537 : vector<1024x128xi1>, vector<1024x128xi32>
      %select_n3A_568 = arith.select %lt3A_564, %select_n3A_537, %select_n3A_563 : vector<1024x128xi1>, vector<1024x128xi32>
      %lt3A_569 = arith.cmpf olt, %select_n3A_566, %select_n3A_540 : vector<1024x128xf32>
      %select_n3A_570 = arith.select %lt3A_569, %select_n3A_566, %select_n3A_540 : vector<1024x128xi1>, vector<1024x128xf32>
      %select_n3A_571 = arith.select %lt3A_569, %select_n3A_540, %select_n3A_566 : vector<1024x128xi1>, vector<1024x128xf32>
      %select_n3A_572 = arith.select %lt3A_569, %select_n3A_568, %select_n3A_542 : vector<1024x128xi1>, vector<1024x128xi32>
      %select_n3A_573 = arith.select %lt3A_569, %select_n3A_542, %select_n3A_568 : vector<1024x128xi1>, vector<1024x128xi32>
      %lt3A_574 = arith.cmpf olt, %select_n3A_571, %select_n3A_545 : vector<1024x128xf32>
      %select_n3A_575 = arith.select %lt3A_574, %select_n3A_571, %select_n3A_545 : vector<1024x128xi1>, vector<1024x128xf32>
      %select_n3A_576 = arith.select %lt3A_574, %select_n3A_545, %select_n3A_571 : vector<1024x128xi1>, vector<1024x128xf32>
      %select_n3A_577 = arith.select %lt3A_574, %select_n3A_573, %select_n3A_547 : vector<1024x128xi1>, vector<1024x128xi32>
      %select_n3A_578 = arith.select %lt3A_574, %select_n3A_547, %select_n3A_573 : vector<1024x128xi1>, vector<1024x128xi32>
      %lt3A_579 = arith.cmpf olt, %select_n3A_576, %select_n3A_550 : vector<1024x128xf32>
      %select_n3A_580 = arith.select %lt3A_579, %select_n3A_576, %select_n3A_550 : vector<1024x128xi1>, vector<1024x128xf32>
      %select_n3A_581 = arith.select %lt3A_579, %select_n3A_550, %select_n3A_576 : vector<1024x128xi1>, vector<1024x128xf32>
      %select_n3A_582 = arith.select %lt3A_579, %select_n3A_578, %select_n3A_552 : vector<1024x128xi1>, vector<1024x128xi32>
      %select_n3A_583 = arith.select %lt3A_579, %select_n3A_552, %select_n3A_578 : vector<1024x128xi1>, vector<1024x128xi32>
      %lt3A_584 = arith.cmpf olt, %select_n3A_581, %select_n3A_555 : vector<1024x128xf32>
      %select_n3A_585 = arith.select %lt3A_584, %select_n3A_581, %select_n3A_555 : vector<1024x128xi1>, vector<1024x128xf32>
      %select_n3A_586 = arith.select %lt3A_584, %select_n3A_583, %select_n3A_556 : vector<1024x128xi1>, vector<1024x128xi32>
      %swap3A_587 = arith.constant 0 : index
      %swap3A_588 = arith.constant 0 : index
      %swap3A_589 = arith.constant 0 : index
      %swap3A_590 = vector.load %arg4[%swap3A_587, %swap3A_588, %swap3A_589] : memref<6x1024x128xf32, #tpu.memory_space<vmem>>, vector<1x1024x128xf32>
      %swap3A_591 = vector.shape_cast %swap3A_590 : vector<1x1024x128xf32> to vector<1024x128xf32>
      %swap3A_592 = vector.shape_cast %select_n3A_560 : vector<1024x128xf32> to vector<1x1024x128xf32>
      tpu.vector_store %arg4[%swap3A_587, %swap3A_588, %swap3A_589], %swap3A_592 {strides = array<i32>} : memref<6x1024x128xf32, #tpu.memory_space<vmem>>, vector<1x1024x128xf32>,
      %swap3A_593 = arith.constant 0 : index
      %swap3A_594 = arith.constant 0 : index
      %swap3A_595 = arith.constant 0 : index
      %swap3A_596 = vector.load %arg5[%swap3A_593, %swap3A_594, %swap3A_595] : memref<6x1024x128xi32, #tpu.memory_space<vmem>>, vector<1x1024x128xi32>
      %swap3A_597 = vector.shape_cast %swap3A_596 : vector<1x1024x128xi32> to vector<1024x128xi32>
      %swap3A_598 = vector.shape_cast %select_n3A_562 : vector<1024x128xi32> to vector<1x1024x128xi32>
      tpu.vector_store %arg5[%swap3A_593, %swap3A_594, %swap3A_595], %swap3A_598 {strides = array<i32>} : memref<6x1024x128xi32, #tpu.memory_space<vmem>>, vector<1x1024x128xi32>,
      %swap3A_599 = arith.constant 1 : index
      %swap3A_600 = arith.constant 0 : index
      %swap3A_601 = arith.constant 0 : index
      %swap3A_602 = vector.load %arg4[%swap3A_599, %swap3A_600, %swap3A_601] : memref<6x1024x128xf32, #tpu.memory_space<vmem>>, vector<1x1024x128xf32>
      %swap3A_603 = vector.shape_cast %swap3A_602 : vector<1x1024x128xf32> to vector<1024x128xf32>
      %swap3A_604 = vector.shape_cast %select_n3A_565 : vector<1024x128xf32> to vector<1x1024x128xf32>
      tpu.vector_store %arg4[%swap3A_599, %swap3A_600, %swap3A_601], %swap3A_604 {strides = array<i32>} : memref<6x1024x128xf32, #tpu.memory_space<vmem>>, vector<1x1024x128xf32>,
      %swap3A_605 = arith.constant 1 : index
      %swap3A_606 = arith.constant 0 : index
      %swap3A_607 = arith.constant 0 : index
      %swap3A_608 = vector.load %arg5[%swap3A_605, %swap3A_606, %swap3A_607] : memref<6x1024x128xi32, #tpu.memory_space<vmem>>, vector<1x1024x128xi32>
      %swap3A_609 = vector.shape_cast %swap3A_608 : vector<1x1024x128xi32> to vector<1024x128xi32>
      %swap3A_610 = vector.shape_cast %select_n3A_567 : vector<1024x128xi32> to vector<1x1024x128xi32>
      tpu.vector_store %arg5[%swap3A_605, %swap3A_606, %swap3A_607], %swap3A_610 {strides = array<i32>} : memref<6x1024x128xi32, #tpu.memory_space<vmem>>, vector<1x1024x128xi32>,
      %swap3A_611 = arith.constant 2 : index
      %swap3A_612 = arith.constant 0 : index
      %swap3A_613 = arith.constant 0 : index
      %swap3A_614 = vector.load %arg4[%swap3A_611, %swap3A_612, %swap3A_613] : memref<6x1024x128xf32, #tpu.memory_space<vmem>>, vector<1x1024x128xf32>
      %swap3A_615 = vector.shape_cast %swap3A_614 : vector<1x1024x128xf32> to vector<1024x128xf32>
      %swap3A_616 = vector.shape_cast %select_n3A_570 : vector<1024x128xf32> to vector<1x1024x128xf32>
      tpu.vector_store %arg4[%swap3A_611, %swap3A_612, %swap3A_613], %swap3A_616 {strides = array<i32>} : memref<6x1024x128xf32, #tpu.memory_space<vmem>>, vector<1x1024x128xf32>,
      %swap3A_617 = arith.constant 2 : index
      %swap3A_618 = arith.constant 0 : index
      %swap3A_619 = arith.constant 0 : index
      %swap3A_620 = vector.load %arg5[%swap3A_617, %swap3A_618, %swap3A_619] : memref<6x1024x128xi32, #tpu.memory_space<vmem>>, vector<1x1024x128xi32>
      %swap3A_621 = vector.shape_cast %swap3A_620 : vector<1x1024x128xi32> to vector<1024x128xi32>
      %swap3A_622 = vector.shape_cast %select_n3A_572 : vector<1024x128xi32> to vector<1x1024x128xi32>
      tpu.vector_store %arg5[%swap3A_617, %swap3A_618, %swap3A_619], %swap3A_622 {strides = array<i32>} : memref<6x1024x128xi32, #tpu.memory_space<vmem>>, vector<1x1024x128xi32>,
      %swap3A_623 = arith.constant 3 : index
      %swap3A_624 = arith.constant 0 : index
      %swap3A_625 = arith.constant 0 : index
      %swap3A_626 = vector.load %arg4[%swap3A_623, %swap3A_624, %swap3A_625] : memref<6x1024x128xf32, #tpu.memory_space<vmem>>, vector<1x1024x128xf32>
      %swap3A_627 = vector.shape_cast %swap3A_626 : vector<1x1024x128xf32> to vector<1024x128xf32>
      %swap3A_628 = vector.shape_cast %select_n3A_575 : vector<1024x128xf32> to vector<1x1024x128xf32>
      tpu.vector_store %arg4[%swap3A_623, %swap3A_624, %swap3A_625], %swap3A_628 {strides = array<i32>} : memref<6x1024x128xf32, #tpu.memory_space<vmem>>, vector<1x1024x128xf32>,
      %swap3A_629 = arith.constant 3 : index
      %swap3A_630 = arith.constant 0 : index
      %swap3A_631 = arith.constant 0 : index
      %swap3A_632 = vector.load %arg5[%swap3A_629, %swap3A_630, %swap3A_631] : memref<6x1024x128xi32, #tpu.memory_space<vmem>>, vector<1x1024x128xi32>
      %swap3A_633 = vector.shape_cast %swap3A_632 : vector<1x1024x128xi32> to vector<1024x128xi32>
      %swap3A_634 = vector.shape_cast %select_n3A_577 : vector<1024x128xi32> to vector<1x1024x128xi32>
      tpu.vector_store %arg5[%swap3A_629, %swap3A_630, %swap3A_631], %swap3A_634 {strides = array<i32>} : memref<6x1024x128xi32, #tpu.memory_space<vmem>>, vector<1x1024x128xi32>,
      %swap3A_635 = arith.constant 4 : index
      %swap3A_636 = arith.constant 0 : index
      %swap3A_637 = arith.constant 0 : index
      %swap3A_638 = vector.load %arg4[%swap3A_635, %swap3A_636, %swap3A_637] : memref<6x1024x128xf32, #tpu.memory_space<vmem>>, vector<1x1024x128xf32>
      %swap3A_639 = vector.shape_cast %swap3A_638 : vector<1x1024x128xf32> to vector<1024x128xf32>
      %swap3A_640 = vector.shape_cast %select_n3A_580 : vector<1024x128xf32> to vector<1x1024x128xf32>
      tpu.vector_store %arg4[%swap3A_635, %swap3A_636, %swap3A_637], %swap3A_640 {strides = array<i32>} : memref<6x1024x128xf32, #tpu.memory_space<vmem>>, vector<1x1024x128xf32>,
      %swap3A_641 = arith.constant 4 : index
      %swap3A_642 = arith.constant 0 : index
      %swap3A_643 = arith.constant 0 : index
      %swap3A_644 = vector.load %arg5[%swap3A_641, %swap3A_642, %swap3A_643] : memref<6x1024x128xi32, #tpu.memory_space<vmem>>, vector<1x1024x128xi32>
      %swap3A_645 = vector.shape_cast %swap3A_644 : vector<1x1024x128xi32> to vector<1024x128xi32>
      %swap3A_646 = vector.shape_cast %select_n3A_582 : vector<1024x128xi32> to vector<1x1024x128xi32>
      tpu.vector_store %arg5[%swap3A_641, %swap3A_642, %swap3A_643], %swap3A_646 {strides = array<i32>} : memref<6x1024x128xi32, #tpu.memory_space<vmem>>, vector<1x1024x128xi32>,
      %swap3A_647 = arith.constant 5 : index
      %swap3A_648 = arith.constant 0 : index
      %swap3A_649 = arith.constant 0 : index
      %swap3A_650 = vector.load %arg4[%swap3A_647, %swap3A_648, %swap3A_649] : memref<6x1024x128xf32, #tpu.memory_space<vmem>>, vector<1x1024x128xf32>
      %swap3A_651 = vector.shape_cast %swap3A_650 : vector<1x1024x128xf32> to vector<1024x128xf32>
      %swap3A_652 = vector.shape_cast %select_n3A_585 : vector<1024x128xf32> to vector<1x1024x128xf32>
      tpu.vector_store %arg4[%swap3A_647, %swap3A_648, %swap3A_649], %swap3A_652 {strides = array<i32>} : memref<6x1024x128xf32, #tpu.memory_space<vmem>>, vector<1x1024x128xf32>,
      %swap3A_653 = arith.constant 5 : index
      %swap3A_654 = arith.constant 0 : index
      %swap3A_655 = arith.constant 0 : index
      %swap3A_656 = vector.load %arg5[%swap3A_653, %swap3A_654, %swap3A_655] : memref<6x1024x128xi32, #tpu.memory_space<vmem>>, vector<1x1024x128xi32>
      %swap3A_657 = vector.shape_cast %swap3A_656 : vector<1x1024x128xi32> to vector<1024x128xi32>
      %swap3A_658 = vector.shape_cast %select_n3A_586 : vector<1024x128xi32> to vector<1x1024x128xi32>
      tpu.vector_store %arg5[%swap3A_653, %swap3A_654, %swap3A_655], %swap3A_658 {strides = array<i32>} : memref<6x1024x128xi32, #tpu.memory_space<vmem>>, vector<1x1024x128xi32>,
    }
    %scan3A_111 = arith.constant 10 : i32
    %iota3A_112 = tpu.iota {dimensions = array<i32: 1>} : vector<1024x32xi32>
    %broadcast_in_dim3A_113 = arith.constant 0x7F800000 : f32
    %broadcast_in_dim3A_114 = vector.broadcast %broadcast_in_dim3A_113 : f32 to vector<1024x128xf32>
    %get3A_115 = arith.constant 0 : index
    %get3A_116 = arith.constant 0 : index
    %get3A_117 = arith.constant 0 : index
    %get3A_118 = vector.load %arg5[%get3A_115, %get3A_116, %get3A_117] : memref<6x1024x128xi32, #tpu.memory_space<vmem>>, vector<1x1024x128xi32>
    %get3A_119 = vector.shape_cast %get3A_118 : vector<1x1024x128xi32> to vector<1024x128xi32>
    %eq3A = vector.broadcast %add3A_12 : vector<1024x1xi32> to vector<1024x128xi32>
    %eq3A_120 = arith.cmpi eq, %get3A_119, %eq3A : vector<1024x128xi32>
    %get3A_121 = arith.constant 0 : index
    %get3A_122 = arith.constant 0 : index
    %get3A_123 = arith.constant 0 : index
    %get3A_124 = vector.load %arg4[%get3A_121, %get3A_122, %get3A_123] : memref<6x1024x128xf32, #tpu.memory_space<vmem>>, vector<1x1024x128xf32>
    %get3A_125 = vector.shape_cast %get3A_124 : vector<1x1024x128xf32> to vector<1024x128xf32>
    %jit3A = arith.constant 0x7F800000 : f32
    %broadcast_in_dim3A_126 = vector.broadcast %jit3A : f32 to vector<1024x128xf32>
    %select_n3A = arith.select %eq3A_120, %broadcast_in_dim3A_126, %get3A_125 : vector<1024x128xi1>, vector<1024x128xf32>
    %swap3A_127 = arith.constant 0 : index
    %swap3A_128 = arith.constant 0 : index
    %swap3A_129 = arith.constant 0 : index
    %swap3A_130 = vector.load %arg4[%swap3A_127, %swap3A_128, %swap3A_129] : memref<6x1024x128xf32, #tpu.memory_space<vmem>>, vector<1x1024x128xf32>
    %swap3A_131 = vector.shape_cast %swap3A_130 : vector<1x1024x128xf32> to vector<1024x128xf32>
    %swap3A_132 = vector.shape_cast %select_n3A : vector<1024x128xf32> to vector<1x1024x128xf32>
    tpu.vector_store %arg4[%swap3A_127, %swap3A_128, %swap3A_129], %swap3A_132 {strides = array<i32>} : memref<6x1024x128xf32, #tpu.memory_space<vmem>>, vector<1x1024x128xf32>,
    %min3A = arith.minimumf %broadcast_in_dim3A_114, %select_n3A : vector<1024x128xf32>
    %get3A_133 = arith.constant 1 : index
    %get3A_134 = arith.constant 0 : index
    %get3A_135 = arith.constant 0 : index
    %get3A_136 = vector.load %arg5[%get3A_133, %get3A_134, %get3A_135] : memref<6x1024x128xi32, #tpu.memory_space<vmem>>, vector<1x1024x128xi32>
    %get3A_137 = vector.shape_cast %get3A_136 : vector<1x1024x128xi32> to vector<1024x128xi32>
    %eq3A_138 = vector.broadcast %add3A_12 : vector<1024x1xi32> to vector<1024x128xi32>
    %eq3A_139 = arith.cmpi eq, %get3A_137, %eq3A_138 : vector<1024x128xi32>
    %get3A_140 = arith.constant 1 : index
    %get3A_141 = arith.constant 0 : index
    %get3A_142 = arith.constant 0 : index
    %get3A_143 = vector.load %arg4[%get3A_140, %get3A_141, %get3A_142] : memref<6x1024x128xf32, #tpu.memory_space<vmem>>, vector<1x1024x128xf32>
    %get3A_144 = vector.shape_cast %get3A_143 : vector<1x1024x128xf32> to vector<1024x128xf32>
    %jit3A_145 = arith.constant 0x7F800000 : f32
    %broadcast_in_dim3A_146 = vector.broadcast %jit3A_145 : f32 to vector<1024x128xf32>
    %select_n3A_147 = arith.select %eq3A_139, %broadcast_in_dim3A_146, %get3A_144 : vector<1024x128xi1>, vector<1024x128xf32>
    %swap3A_148 = arith.constant 1 : index
    %swap3A_149 = arith.constant 0 : index
    %swap3A_150 = arith.constant 0 : index
    %swap3A_151 = vector.load %arg4[%swap3A_148, %swap3A_149, %swap3A_150] : memref<6x1024x128xf32, #tpu.memory_space<vmem>>, vector<1x1024x128xf32>
    %swap3A_152 = vector.shape_cast %swap3A_151 : vector<1x1024x128xf32> to vector<1024x128xf32>
    %swap3A_153 = vector.shape_cast %select_n3A_147 : vector<1024x128xf32> to vector<1x1024x128xf32>
    tpu.vector_store %arg4[%swap3A_148, %swap3A_149, %swap3A_150], %swap3A_153 {strides = array<i32>} : memref<6x1024x128xf32, #tpu.memory_space<vmem>>, vector<1x1024x128xf32>,
    %min3A_154 = arith.minimumf %min3A, %select_n3A_147 : vector<1024x128xf32>
    %get3A_155 = arith.constant 2 : index
    %get3A_156 = arith.constant 0 : index
    %get3A_157 = arith.constant 0 : index
    %get3A_158 = vector.load %arg5[%get3A_155, %get3A_156, %get3A_157] : memref<6x1024x128xi32, #tpu.memory_space<vmem>>, vector<1x1024x128xi32>
    %get3A_159 = vector.shape_cast %get3A_158 : vector<1x1024x128xi32> to vector<1024x128xi32>
    %eq3A_160 = vector.broadcast %add3A_12 : vector<1024x1xi32> to vector<1024x128xi32>
    %eq3A_161 = arith.cmpi eq, %get3A_159, %eq3A_160 : vector<1024x128xi32>
    %get3A_162 = arith.constant 2 : index
    %get3A_163 = arith.constant 0 : index
    %get3A_164 = arith.constant 0 : index
    %get3A_165 = vector.load %arg4[%get3A_162, %get3A_163, %get3A_164] : memref<6x1024x128xf32, #tpu.memory_space<vmem>>, vector<1x1024x128xf32>
    %get3A_166 = vector.shape_cast %get3A_165 : vector<1x1024x128xf32> to vector<1024x128xf32>
    %jit3A_167 = arith.constant 0x7F800000 : f32
    %broadcast_in_dim3A_168 = vector.broadcast %jit3A_167 : f32 to vector<1024x128xf32>
    %select_n3A_169 = arith.select %eq3A_161, %broadcast_in_dim3A_168, %get3A_166 : vector<1024x128xi1>, vector<1024x128xf32>
    %swap3A_170 = arith.constant 2 : index
    %swap3A_171 = arith.constant 0 : index
    %swap3A_172 = arith.constant 0 : index
    %swap3A_173 = vector.load %arg4[%swap3A_170, %swap3A_171, %swap3A_172] : memref<6x1024x128xf32, #tpu.memory_space<vmem>>, vector<1x1024x128xf32>
    %swap3A_174 = vector.shape_cast %swap3A_173 : vector<1x1024x128xf32> to vector<1024x128xf32>
    %swap3A_175 = vector.shape_cast %select_n3A_169 : vector<1024x128xf32> to vector<1x1024x128xf32>
    tpu.vector_store %arg4[%swap3A_170, %swap3A_171, %swap3A_172], %swap3A_175 {strides = array<i32>} : memref<6x1024x128xf32, #tpu.memory_space<vmem>>, vector<1x1024x128xf32>,
    %min3A_176 = arith.minimumf %min3A_154, %select_n3A_169 : vector<1024x128xf32>
    %get3A_177 = arith.constant 3 : index
    %get3A_178 = arith.constant 0 : index
    %get3A_179 = arith.constant 0 : index
    %get3A_180 = vector.load %arg5[%get3A_177, %get3A_178, %get3A_179] : memref<6x1024x128xi32, #tpu.memory_space<vmem>>, vector<1x1024x128xi32>
    %get3A_181 = vector.shape_cast %get3A_180 : vector<1x1024x128xi32> to vector<1024x128xi32>
    %eq3A_182 = vector.broadcast %add3A_12 : vector<1024x1xi32> to vector<1024x128xi32>
    %eq3A_183 = arith.cmpi eq, %get3A_181, %eq3A_182 : vector<1024x128xi32>
    %get3A_184 = arith.constant 3 : index
    %get3A_185 = arith.constant 0 : index
    %get3A_186 = arith.constant 0 : index
    %get3A_187 = vector.load %arg4[%get3A_184, %get3A_185, %get3A_186] : memref<6x1024x128xf32, #tpu.memory_space<vmem>>, vector<1x1024x128xf32>
    %get3A_188 = vector.shape_cast %get3A_187 : vector<1x1024x128xf32> to vector<1024x128xf32>
    %jit3A_189 = arith.constant 0x7F800000 : f32
    %broadcast_in_dim3A_190 = vector.broadcast %jit3A_189 : f32 to vector<1024x128xf32>
    %select_n3A_191 = arith.select %eq3A_183, %broadcast_in_dim3A_190, %get3A_188 : vector<1024x128xi1>, vector<1024x128xf32>
    %swap3A_192 = arith.constant 3 : index
    %swap3A_193 = arith.constant 0 : index
    %swap3A_194 = arith.constant 0 : index
    %swap3A_195 = vector.load %arg4[%swap3A_192, %swap3A_193, %swap3A_194] : memref<6x1024x128xf32, #tpu.memory_space<vmem>>, vector<1x1024x128xf32>
    %swap3A_196 = vector.shape_cast %swap3A_195 : vector<1x1024x128xf32> to vector<1024x128xf32>
    %swap3A_197 = vector.shape_cast %select_n3A_191 : vector<1024x128xf32> to vector<1x1024x128xf32>
    tpu.vector_store %arg4[%swap3A_192, %swap3A_193, %swap3A_194], %swap3A_197 {strides = array<i32>} : memref<6x1024x128xf32, #tpu.memory_space<vmem>>, vector<1x1024x128xf32>,
    %min3A_198 = arith.minimumf %min3A_176, %select_n3A_191 : vector<1024x128xf32>
    %get3A_199 = arith.constant 4 : index
    %get3A_200 = arith.constant 0 : index
    %get3A_201 = arith.constant 0 : index
    %get3A_202 = vector.load %arg5[%get3A_199, %get3A_200, %get3A_201] : memref<6x1024x128xi32, #tpu.memory_space<vmem>>, vector<1x1024x128xi32>
    %get3A_203 = vector.shape_cast %get3A_202 : vector<1x1024x128xi32> to vector<1024x128xi32>
    %eq3A_204 = vector.broadcast %add3A_12 : vector<1024x1xi32> to vector<1024x128xi32>
    %eq3A_205 = arith.cmpi eq, %get3A_203, %eq3A_204 : vector<1024x128xi32>
    %get3A_206 = arith.constant 4 : index
    %get3A_207 = arith.constant 0 : index
    %get3A_208 = arith.constant 0 : index
    %get3A_209 = vector.load %arg4[%get3A_206, %get3A_207, %get3A_208] : memref<6x1024x128xf32, #tpu.memory_space<vmem>>, vector<1x1024x128xf32>
    %get3A_210 = vector.shape_cast %get3A_209 : vector<1x1024x128xf32> to vector<1024x128xf32>
    %jit3A_211 = arith.constant 0x7F800000 : f32
    %broadcast_in_dim3A_212 = vector.broadcast %jit3A_211 : f32 to vector<1024x128xf32>
    %select_n3A_213 = arith.select %eq3A_205, %broadcast_in_dim3A_212, %get3A_210 : vector<1024x128xi1>, vector<1024x128xf32>
    %swap3A_214 = arith.constant 4 : index
    %swap3A_215 = arith.constant 0 : index
    %swap3A_216 = arith.constant 0 : index
    %swap3A_217 = vector.load %arg4[%swap3A_214, %swap3A_215, %swap3A_216] : memref<6x1024x128xf32, #tpu.memory_space<vmem>>, vector<1x1024x128xf32>
    %swap3A_218 = vector.shape_cast %swap3A_217 : vector<1x1024x128xf32> to vector<1024x128xf32>
    %swap3A_219 = vector.shape_cast %select_n3A_213 : vector<1024x128xf32> to vector<1x1024x128xf32>
    tpu.vector_store %arg4[%swap3A_214, %swap3A_215, %swap3A_216], %swap3A_219 {strides = array<i32>} : memref<6x1024x128xf32, #tpu.memory_space<vmem>>, vector<1x1024x128xf32>,
    %min3A_220 = arith.minimumf %min3A_198, %select_n3A_213 : vector<1024x128xf32>
    %get3A_221 = arith.constant 5 : index
    %get3A_222 = arith.constant 0 : index
    %get3A_223 = arith.constant 0 : index
    %get3A_224 = vector.load %arg5[%get3A_221, %get3A_222, %get3A_223] : memref<6x1024x128xi32, #tpu.memory_space<vmem>>, vector<1x1024x128xi32>
    %get3A_225 = vector.shape_cast %get3A_224 : vector<1x1024x128xi32> to vector<1024x128xi32>
    %eq3A_226 = vector.broadcast %add3A_12 : vector<1024x1xi32> to vector<1024x128xi32>
    %eq3A_227 = arith.cmpi eq, %get3A_225, %eq3A_226 : vector<1024x128xi32>
    %get3A_228 = arith.constant 5 : index
    %get3A_229 = arith.constant 0 : index
    %get3A_230 = arith.constant 0 : index
    %get3A_231 = vector.load %arg4[%get3A_228, %get3A_229, %get3A_230] : memref<6x1024x128xf32, #tpu.memory_space<vmem>>, vector<1x1024x128xf32>
    %get3A_232 = vector.shape_cast %get3A_231 : vector<1x1024x128xf32> to vector<1024x128xf32>
    %jit3A_233 = arith.constant 0x7F800000 : f32
    %broadcast_in_dim3A_234 = vector.broadcast %jit3A_233 : f32 to vector<1024x128xf32>
    %select_n3A_235 = arith.select %eq3A_227, %broadcast_in_dim3A_234, %get3A_232 : vector<1024x128xi1>, vector<1024x128xf32>
    %swap3A_236 = arith.constant 5 : index
    %swap3A_237 = arith.constant 0 : index
    %swap3A_238 = arith.constant 0 : index
    %swap3A_239 = vector.load %arg4[%swap3A_236, %swap3A_237, %swap3A_238] : memref<6x1024x128xf32, #tpu.memory_space<vmem>>, vector<1x1024x128xf32>
    %swap3A_240 = vector.shape_cast %swap3A_239 : vector<1x1024x128xf32> to vector<1024x128xf32>
    %swap3A_241 = vector.shape_cast %select_n3A_235 : vector<1024x128xf32> to vector<1x1024x128xf32>
    tpu.vector_store %arg4[%swap3A_236, %swap3A_237, %swap3A_238], %swap3A_241 {strides = array<i32>} : memref<6x1024x128xf32, #tpu.memory_space<vmem>>, vector<1x1024x128xf32>,
    %min3A_242 = arith.minimumf %min3A_220, %select_n3A_235 : vector<1024x128xf32>
    %reduce_min3A = arith.constant dense<0x7F800000> : vector<1024xf32>
    %reduce_min3A_243 = vector.multi_reduction <minimumf>, %min3A_242, %reduce_min3A [1] : vector<1024x128xf32> to vector<1024xf32>
    %broadcast_in_dim3A_244 = vector.shape_cast %reduce_min3A_243 : vector<1024xf32> to vector<1024x1xf32>
    %broadcast_in_dim3A_245 = arith.constant 0 : i32
    %broadcast_in_dim3A_246 = vector.broadcast %broadcast_in_dim3A_245 : i32 to vector<1024x32xi32>
    %scan3A_247 = arith.constant 10240 : i32
    %scan3A_248 = arith.constant 0x7F800000 : f32
    %scan3A_249 = arith.constant 0 : i32
    %scan3A_250 = arith.constant 32 : i32
    %scan3A_251 = arith.addi %scan3A_249, %scan3A_250 : i32
    %scan3A_252 = arith.constant 1 : i32
    %scan3A_253:2 = scf.for %scan3A_258 = %scan3A_249 to %scan3A_251 step %scan3A_252 iter_args(%scan3A_259 = %broadcast_in_dim3A_244, %scan3A_260 = %broadcast_in_dim3A_246) -> (vector<1024x1xf32>, vector<1024x32xi32>)  : i32 {
      %broadcast_in_dim3A_261 = vector.broadcast %scan3A_247 : i32 to vector<1024x128xi32>
      %get3A_262 = arith.constant 0 : index
      %get3A_263 = arith.constant 0 : index
      %get3A_264 = arith.constant 0 : index
      %get3A_265 = vector.load %arg4[%get3A_262, %get3A_263, %get3A_264] : memref<6x1024x128xf32, #tpu.memory_space<vmem>>, vector<1x1024x128xf32>
      %get3A_266 = vector.shape_cast %get3A_265 : vector<1x1024x128xf32> to vector<1024x128xf32>
      %eq3A_267 = vector.broadcast %scan3A_259 : vector<1024x1xf32> to vector<1024x128xf32>
      %eq3A_268 = arith.cmpf oeq, %get3A_266, %eq3A_267 : vector<1024x128xf32>
      %get3A_269 = arith.constant 0 : index
      %get3A_270 = arith.constant 0 : index
      %get3A_271 = arith.constant 0 : index
      %get3A_272 = vector.load %arg5[%get3A_269, %get3A_270, %get3A_271] : memref<6x1024x128xi32, #tpu.memory_space<vmem>>, vector<1x1024x128xi32>
      %get3A_273 = vector.shape_cast %get3A_272 : vector<1x1024x128xi32> to vector<1024x128xi32>
      %broadcast_in_dim3A_274 = vector.broadcast %scan3A_247 : i32 to vector<1024x128xi32>
      %select_n3A_275 = arith.select %eq3A_268, %get3A_273, %broadcast_in_dim3A_274 : vector<1024x128xi1>, vector<1024x128xi32>
      %min3A_276 = arith.minsi %broadcast_in_dim3A_261, %select_n3A_275 : vector<1024x128xi32>
      %get3A_277 = arith.constant 1 : index
      %get3A_278 = arith.constant 0 : index
      %get3A_279 = arith.constant 0 : index
      %get3A_280 = vector.load %arg4[%get3A_277, %get3A_278, %get3A_279] : memref<6x1024x128xf32, #tpu.memory_space<vmem>>, vector<1x1024x128xf32>
      %get3A_281 = vector.shape_cast %get3A_280 : vector<1x1024x128xf32> to vector<1024x128xf32>
      %eq3A_282 = vector.broadcast %scan3A_259 : vector<1024x1xf32> to vector<1024x128xf32>
      %eq3A_283 = arith.cmpf oeq, %get3A_281, %eq3A_282 : vector<1024x128xf32>
      %get3A_284 = arith.constant 1 : index
      %get3A_285 = arith.constant 0 : index
      %get3A_286 = arith.constant 0 : index
      %get3A_287 = vector.load %arg5[%get3A_284, %get3A_285, %get3A_286] : memref<6x1024x128xi32, #tpu.memory_space<vmem>>, vector<1x1024x128xi32>
      %get3A_288 = vector.shape_cast %get3A_287 : vector<1x1024x128xi32> to vector<1024x128xi32>
      %broadcast_in_dim3A_289 = vector.broadcast %scan3A_247 : i32 to vector<1024x128xi32>
      %select_n3A_290 = arith.select %eq3A_283, %get3A_288, %broadcast_in_dim3A_289 : vector<1024x128xi1>, vector<1024x128xi32>
      %min3A_291 = arith.minsi %min3A_276, %select_n3A_290 : vector<1024x128xi32>
      %get3A_292 = arith.constant 2 : index
      %get3A_293 = arith.constant 0 : index
      %get3A_294 = arith.constant 0 : index
      %get3A_295 = vector.load %arg4[%get3A_292, %get3A_293, %get3A_294] : memref<6x1024x128xf32, #tpu.memory_space<vmem>>, vector<1x1024x128xf32>
      %get3A_296 = vector.shape_cast %get3A_295 : vector<1x1024x128xf32> to vector<1024x128xf32>
      %eq3A_297 = vector.broadcast %scan3A_259 : vector<1024x1xf32> to vector<1024x128xf32>
      %eq3A_298 = arith.cmpf oeq, %get3A_296, %eq3A_297 : vector<1024x128xf32>
      %get3A_299 = arith.constant 2 : index
      %get3A_300 = arith.constant 0 : index
      %get3A_301 = arith.constant 0 : index
      %get3A_302 = vector.load %arg5[%get3A_299, %get3A_300, %get3A_301] : memref<6x1024x128xi32, #tpu.memory_space<vmem>>, vector<1x1024x128xi32>
      %get3A_303 = vector.shape_cast %get3A_302 : vector<1x1024x128xi32> to vector<1024x128xi32>
      %broadcast_in_dim3A_304 = vector.broadcast %scan3A_247 : i32 to vector<1024x128xi32>
      %select_n3A_305 = arith.select %eq3A_298, %get3A_303, %broadcast_in_dim3A_304 : vector<1024x128xi1>, vector<1024x128xi32>
      %min3A_306 = arith.minsi %min3A_291, %select_n3A_305 : vector<1024x128xi32>
      %get3A_307 = arith.constant 3 : index
      %get3A_308 = arith.constant 0 : index
      %get3A_309 = arith.constant 0 : index
      %get3A_310 = vector.load %arg4[%get3A_307, %get3A_308, %get3A_309] : memref<6x1024x128xf32, #tpu.memory_space<vmem>>, vector<1x1024x128xf32>
      %get3A_311 = vector.shape_cast %get3A_310 : vector<1x1024x128xf32> to vector<1024x128xf32>
      %eq3A_312 = vector.broadcast %scan3A_259 : vector<1024x1xf32> to vector<1024x128xf32>
      %eq3A_313 = arith.cmpf oeq, %get3A_311, %eq3A_312 : vector<1024x128xf32>
      %get3A_314 = arith.constant 3 : index
      %get3A_315 = arith.constant 0 : index
      %get3A_316 = arith.constant 0 : index
      %get3A_317 = vector.load %arg5[%get3A_314, %get3A_315, %get3A_316] : memref<6x1024x128xi32, #tpu.memory_space<vmem>>, vector<1x1024x128xi32>
      %get3A_318 = vector.shape_cast %get3A_317 : vector<1x1024x128xi32> to vector<1024x128xi32>
      %broadcast_in_dim3A_319 = vector.broadcast %scan3A_247 : i32 to vector<1024x128xi32>
      %select_n3A_320 = arith.select %eq3A_313, %get3A_318, %broadcast_in_dim3A_319 : vector<1024x128xi1>, vector<1024x128xi32>
      %min3A_321 = arith.minsi %min3A_306, %select_n3A_320 : vector<1024x128xi32>
      %get3A_322 = arith.constant 4 : index
      %get3A_323 = arith.constant 0 : index
      %get3A_324 = arith.constant 0 : index
      %get3A_325 = vector.load %arg4[%get3A_322, %get3A_323, %get3A_324] : memref<6x1024x128xf32, #tpu.memory_space<vmem>>, vector<1x1024x128xf32>
      %get3A_326 = vector.shape_cast %get3A_325 : vector<1x1024x128xf32> to vector<1024x128xf32>
      %eq3A_327 = vector.broadcast %scan3A_259 : vector<1024x1xf32> to vector<1024x128xf32>
      %eq3A_328 = arith.cmpf oeq, %get3A_326, %eq3A_327 : vector<1024x128xf32>
      %get3A_329 = arith.constant 4 : index
      %get3A_330 = arith.constant 0 : index
      %get3A_331 = arith.constant 0 : index
      %get3A_332 = vector.load %arg5[%get3A_329, %get3A_330, %get3A_331] : memref<6x1024x128xi32, #tpu.memory_space<vmem>>, vector<1x1024x128xi32>
      %get3A_333 = vector.shape_cast %get3A_332 : vector<1x1024x128xi32> to vector<1024x128xi32>
      %broadcast_in_dim3A_334 = vector.broadcast %scan3A_247 : i32 to vector<1024x128xi32>
      %select_n3A_335 = arith.select %eq3A_328, %get3A_333, %broadcast_in_dim3A_334 : vector<1024x128xi1>, vector<1024x128xi32>
      %min3A_336 = arith.minsi %min3A_321, %select_n3A_335 : vector<1024x128xi32>
      %get3A_337 = arith.constant 5 : index
      %get3A_338 = arith.constant 0 : index
      %get3A_339 = arith.constant 0 : index
      %get3A_340 = vector.load %arg4[%get3A_337, %get3A_338, %get3A_339] : memref<6x1024x128xf32, #tpu.memory_space<vmem>>, vector<1x1024x128xf32>
      %get3A_341 = vector.shape_cast %get3A_340 : vector<1x1024x128xf32> to vector<1024x128xf32>
      %eq3A_342 = vector.broadcast %scan3A_259 : vector<1024x1xf32> to vector<1024x128xf32>
      %eq3A_343 = arith.cmpf oeq, %get3A_341, %eq3A_342 : vector<1024x128xf32>
      %get3A_344 = arith.constant 5 : index
      %get3A_345 = arith.constant 0 : index
      %get3A_346 = arith.constant 0 : index
      %get3A_347 = vector.load %arg5[%get3A_344, %get3A_345, %get3A_346] : memref<6x1024x128xi32, #tpu.memory_space<vmem>>, vector<1x1024x128xi32>
      %get3A_348 = vector.shape_cast %get3A_347 : vector<1x1024x128xi32> to vector<1024x128xi32>
      %broadcast_in_dim3A_349 = vector.broadcast %scan3A_247 : i32 to vector<1024x128xi32>
      %select_n3A_350 = arith.select %eq3A_343, %get3A_348, %broadcast_in_dim3A_349 : vector<1024x128xi1>, vector<1024x128xi32>
      %min3A_351 = arith.minsi %min3A_336, %select_n3A_350 : vector<1024x128xi32>
      %reduce_min3A_352 = arith.constant dense<2147483647> : vector<1024xi32>
      %reduce_min3A_353 = vector.multi_reduction <minsi>, %min3A_351, %reduce_min3A_352 [1] : vector<1024x128xi32> to vector<1024xi32>
      %broadcast_in_dim3A_354 = vector.shape_cast %reduce_min3A_353 : vector<1024xi32> to vector<1024x1xi32>
      %eq3A_355 = vector.broadcast %scan3A_258 : i32 to vector<1024x32xi32>
      %eq3A_356 = arith.cmpi eq, %iota3A_112, %eq3A_355 : vector<1024x32xi32>
      %broadcast_in_dim3A_357 = vector.shape_cast %broadcast_in_dim3A_354 : vector<1024x1xi32> to vector<1024x1xi32>
      %broadcast_in_dim3A_358 = vector.broadcast %broadcast_in_dim3A_357 : vector<1024x1xi32> to vector<1024x32xi32>
      %select_n3A_359 = arith.select %eq3A_356, %broadcast_in_dim3A_358, %scan3A_260 : vector<1024x32xi1>, vector<1024x32xi32>
      %broadcast_in_dim3A_360 = vector.broadcast %scan3A_248 : f32 to vector<1024x128xf32>
      %get3A_361 = arith.constant 0 : index
      %get3A_362 = arith.constant 0 : index
      %get3A_363 = arith.constant 0 : index
      %get3A_364 = vector.load %arg5[%get3A_361, %get3A_362, %get3A_363] : memref<6x1024x128xi32, #tpu.memory_space<vmem>>, vector<1x1024x128xi32>
      %get3A_365 = vector.shape_cast %get3A_364 : vector<1x1024x128xi32> to vector<1024x128xi32>
      %eq3A_366 = vector.broadcast %broadcast_in_dim3A_354 : vector<1024x1xi32> to vector<1024x128xi32>
      %eq3A_367 = arith.cmpi eq, %get3A_365, %eq3A_366 : vector<1024x128xi32>
      %get3A_368 = arith.constant 0 : index
      %get3A_369 = arith.constant 0 : index
      %get3A_370 = arith.constant 0 : index
      %get3A_371 = vector.load %arg4[%get3A_368, %get3A_369, %get3A_370] : memref<6x1024x128xf32, #tpu.memory_space<vmem>>, vector<1x1024x128xf32>
      %get3A_372 = vector.shape_cast %get3A_371 : vector<1x1024x128xf32> to vector<1024x128xf32>
      %broadcast_in_dim3A_373 = vector.broadcast %scan3A_248 : f32 to vector<1024x128xf32>
      %select_n3A_374 = arith.select %eq3A_367, %broadcast_in_dim3A_373, %get3A_372 : vector<1024x128xi1>, vector<1024x128xf32>
      %swap3A_375 = arith.constant 0 : index
      %swap3A_376 = arith.constant 0 : index
      %swap3A_377 = arith.constant 0 : index
      %swap3A_378 = vector.load %arg4[%swap3A_375, %swap3A_376, %swap3A_377] : memref<6x1024x128xf32, #tpu.memory_space<vmem>>, vector<1x1024x128xf32>
      %swap3A_379 = vector.shape_cast %swap3A_378 : vector<1x1024x128xf32> to vector<1024x128xf32>
      %swap3A_380 = vector.shape_cast %select_n3A_374 : vector<1024x128xf32> to vector<1x1024x128xf32>
      tpu.vector_store %arg4[%swap3A_375, %swap3A_376, %swap3A_377], %swap3A_380 {strides = array<i32>} : memref<6x1024x128xf32, #tpu.memory_space<vmem>>, vector<1x1024x128xf32>,
      %min3A_381 = arith.minimumf %broadcast_in_dim3A_360, %select_n3A_374 : vector<1024x128xf32>
      %get3A_382 = arith.constant 1 : index
      %get3A_383 = arith.constant 0 : index
      %get3A_384 = arith.constant 0 : index
      %get3A_385 = vector.load %arg5[%get3A_382, %get3A_383, %get3A_384] : memref<6x1024x128xi32, #tpu.memory_space<vmem>>, vector<1x1024x128xi32>
      %get3A_386 = vector.shape_cast %get3A_385 : vector<1x1024x128xi32> to vector<1024x128xi32>
      %eq3A_387 = vector.broadcast %broadcast_in_dim3A_354 : vector<1024x1xi32> to vector<1024x128xi32>
      %eq3A_388 = arith.cmpi eq, %get3A_386, %eq3A_387 : vector<1024x128xi32>
      %get3A_389 = arith.constant 1 : index
      %get3A_390 = arith.constant 0 : index
      %get3A_391 = arith.constant 0 : index
      %get3A_392 = vector.load %arg4[%get3A_389, %get3A_390, %get3A_391] : memref<6x1024x128xf32, #tpu.memory_space<vmem>>, vector<1x1024x128xf32>
      %get3A_393 = vector.shape_cast %get3A_392 : vector<1x1024x128xf32> to vector<1024x128xf32>
      %broadcast_in_dim3A_394 = vector.broadcast %scan3A_248 : f32 to vector<1024x128xf32>
      %select_n3A_395 = arith.select %eq3A_388, %broadcast_in_dim3A_394, %get3A_393 : vector<1024x128xi1>, vector<1024x128xf32>
      %swap3A_396 = arith.constant 1 : index
      %swap3A_397 = arith.constant 0 : index
      %swap3A_398 = arith.constant 0 : index
      %swap3A_399 = vector.load %arg4[%swap3A_396, %swap3A_397, %swap3A_398] : memref<6x1024x128xf32, #tpu.memory_space<vmem>>, vector<1x1024x128xf32>
      %swap3A_400 = vector.shape_cast %swap3A_399 : vector<1x1024x128xf32> to vector<1024x128xf32>
      %swap3A_401 = vector.shape_cast %select_n3A_395 : vector<1024x128xf32> to vector<1x1024x128xf32>
      tpu.vector_store %arg4[%swap3A_396, %swap3A_397, %swap3A_398], %swap3A_401 {strides = array<i32>} : memref<6x1024x128xf32, #tpu.memory_space<vmem>>, vector<1x1024x128xf32>,
      %min3A_402 = arith.minimumf %min3A_381, %select_n3A_395 : vector<1024x128xf32>
      %get3A_403 = arith.constant 2 : index
      %get3A_404 = arith.constant 0 : index
      %get3A_405 = arith.constant 0 : index
      %get3A_406 = vector.load %arg5[%get3A_403, %get3A_404, %get3A_405] : memref<6x1024x128xi32, #tpu.memory_space<vmem>>, vector<1x1024x128xi32>
      %get3A_407 = vector.shape_cast %get3A_406 : vector<1x1024x128xi32> to vector<1024x128xi32>
      %eq3A_408 = vector.broadcast %broadcast_in_dim3A_354 : vector<1024x1xi32> to vector<1024x128xi32>
      %eq3A_409 = arith.cmpi eq, %get3A_407, %eq3A_408 : vector<1024x128xi32>
      %get3A_410 = arith.constant 2 : index
      %get3A_411 = arith.constant 0 : index
      %get3A_412 = arith.constant 0 : index
      %get3A_413 = vector.load %arg4[%get3A_410, %get3A_411, %get3A_412] : memref<6x1024x128xf32, #tpu.memory_space<vmem>>, vector<1x1024x128xf32>
      %get3A_414 = vector.shape_cast %get3A_413 : vector<1x1024x128xf32> to vector<1024x128xf32>
      %broadcast_in_dim3A_415 = vector.broadcast %scan3A_248 : f32 to vector<1024x128xf32>
      %select_n3A_416 = arith.select %eq3A_409, %broadcast_in_dim3A_415, %get3A_414 : vector<1024x128xi1>, vector<1024x128xf32>
      %swap3A_417 = arith.constant 2 : index
      %swap3A_418 = arith.constant 0 : index
      %swap3A_419 = arith.constant 0 : index
      %swap3A_420 = vector.load %arg4[%swap3A_417, %swap3A_418, %swap3A_419] : memref<6x1024x128xf32, #tpu.memory_space<vmem>>, vector<1x1024x128xf32>
      %swap3A_421 = vector.shape_cast %swap3A_420 : vector<1x1024x128xf32> to vector<1024x128xf32>
      %swap3A_422 = vector.shape_cast %select_n3A_416 : vector<1024x128xf32> to vector<1x1024x128xf32>
      tpu.vector_store %arg4[%swap3A_417, %swap3A_418, %swap3A_419], %swap3A_422 {strides = array<i32>} : memref<6x1024x128xf32, #tpu.memory_space<vmem>>, vector<1x1024x128xf32>,
      %min3A_423 = arith.minimumf %min3A_402, %select_n3A_416 : vector<1024x128xf32>
      %get3A_424 = arith.constant 3 : index
      %get3A_425 = arith.constant 0 : index
      %get3A_426 = arith.constant 0 : index
      %get3A_427 = vector.load %arg5[%get3A_424, %get3A_425, %get3A_426] : memref<6x1024x128xi32, #tpu.memory_space<vmem>>, vector<1x1024x128xi32>
      %get3A_428 = vector.shape_cast %get3A_427 : vector<1x1024x128xi32> to vector<1024x128xi32>
      %eq3A_429 = vector.broadcast %broadcast_in_dim3A_354 : vector<1024x1xi32> to vector<1024x128xi32>
      %eq3A_430 = arith.cmpi eq, %get3A_428, %eq3A_429 : vector<1024x128xi32>
      %get3A_431 = arith.constant 3 : index
      %get3A_432 = arith.constant 0 : index
      %get3A_433 = arith.constant 0 : index
      %get3A_434 = vector.load %arg4[%get3A_431, %get3A_432, %get3A_433] : memref<6x1024x128xf32, #tpu.memory_space<vmem>>, vector<1x1024x128xf32>
      %get3A_435 = vector.shape_cast %get3A_434 : vector<1x1024x128xf32> to vector<1024x128xf32>
      %broadcast_in_dim3A_436 = vector.broadcast %scan3A_248 : f32 to vector<1024x128xf32>
      %select_n3A_437 = arith.select %eq3A_430, %broadcast_in_dim3A_436, %get3A_435 : vector<1024x128xi1>, vector<1024x128xf32>
      %swap3A_438 = arith.constant 3 : index
      %swap3A_439 = arith.constant 0 : index
      %swap3A_440 = arith.constant 0 : index
      %swap3A_441 = vector.load %arg4[%swap3A_438, %swap3A_439, %swap3A_440] : memref<6x1024x128xf32, #tpu.memory_space<vmem>>, vector<1x1024x128xf32>
      %swap3A_442 = vector.shape_cast %swap3A_441 : vector<1x1024x128xf32> to vector<1024x128xf32>
      %swap3A_443 = vector.shape_cast %select_n3A_437 : vector<1024x128xf32> to vector<1x1024x128xf32>
      tpu.vector_store %arg4[%swap3A_438, %swap3A_439, %swap3A_440], %swap3A_443 {strides = array<i32>} : memref<6x1024x128xf32, #tpu.memory_space<vmem>>, vector<1x1024x128xf32>,
      %min3A_444 = arith.minimumf %min3A_423, %select_n3A_437 : vector<1024x128xf32>
      %get3A_445 = arith.constant 4 : index
      %get3A_446 = arith.constant 0 : index
      %get3A_447 = arith.constant 0 : index
      %get3A_448 = vector.load %arg5[%get3A_445, %get3A_446, %get3A_447] : memref<6x1024x128xi32, #tpu.memory_space<vmem>>, vector<1x1024x128xi32>
      %get3A_449 = vector.shape_cast %get3A_448 : vector<1x1024x128xi32> to vector<1024x128xi32>
      %eq3A_450 = vector.broadcast %broadcast_in_dim3A_354 : vector<1024x1xi32> to vector<1024x128xi32>
      %eq3A_451 = arith.cmpi eq, %get3A_449, %eq3A_450 : vector<1024x128xi32>
      %get3A_452 = arith.constant 4 : index
      %get3A_453 = arith.constant 0 : index
      %get3A_454 = arith.constant 0 : index
      %get3A_455 = vector.load %arg4[%get3A_452, %get3A_453, %get3A_454] : memref<6x1024x128xf32, #tpu.memory_space<vmem>>, vector<1x1024x128xf32>
      %get3A_456 = vector.shape_cast %get3A_455 : vector<1x1024x128xf32> to vector<1024x128xf32>
      %broadcast_in_dim3A_457 = vector.broadcast %scan3A_248 : f32 to vector<1024x128xf32>
      %select_n3A_458 = arith.select %eq3A_451, %broadcast_in_dim3A_457, %get3A_456 : vector<1024x128xi1>, vector<1024x128xf32>
      %swap3A_459 = arith.constant 4 : index
      %swap3A_460 = arith.constant 0 : index
      %swap3A_461 = arith.constant 0 : index
      %swap3A_462 = vector.load %arg4[%swap3A_459, %swap3A_460, %swap3A_461] : memref<6x1024x128xf32, #tpu.memory_space<vmem>>, vector<1x1024x128xf32>
      %swap3A_463 = vector.shape_cast %swap3A_462 : vector<1x1024x128xf32> to vector<1024x128xf32>
      %swap3A_464 = vector.shape_cast %select_n3A_458 : vector<1024x128xf32> to vector<1x1024x128xf32>
      tpu.vector_store %arg4[%swap3A_459, %swap3A_460, %swap3A_461], %swap3A_464 {strides = array<i32>} : memref<6x1024x128xf32, #tpu.memory_space<vmem>>, vector<1x1024x128xf32>,
      %min3A_465 = arith.minimumf %min3A_444, %select_n3A_458 : vector<1024x128xf32>
      %get3A_466 = arith.constant 5 : index
      %get3A_467 = arith.constant 0 : index
      %get3A_468 = arith.constant 0 : index
      %get3A_469 = vector.load %arg5[%get3A_466, %get3A_467, %get3A_468] : memref<6x1024x128xi32, #tpu.memory_space<vmem>>, vector<1x1024x128xi32>
      %get3A_470 = vector.shape_cast %get3A_469 : vector<1x1024x128xi32> to vector<1024x128xi32>
      %eq3A_471 = vector.broadcast %broadcast_in_dim3A_354 : vector<1024x1xi32> to vector<1024x128xi32>
      %eq3A_472 = arith.cmpi eq, %get3A_470, %eq3A_471 : vector<1024x128xi32>
      %get3A_473 = arith.constant 5 : index
      %get3A_474 = arith.constant 0 : index
      %get3A_475 = arith.constant 0 : index
      %get3A_476 = vector.load %arg4[%get3A_473, %get3A_474, %get3A_475] : memref<6x1024x128xf32, #tpu.memory_space<vmem>>, vector<1x1024x128xf32>
      %get3A_477 = vector.shape_cast %get3A_476 : vector<1x1024x128xf32> to vector<1024x128xf32>
      %broadcast_in_dim3A_478 = vector.broadcast %scan3A_248 : f32 to vector<1024x128xf32>
      %select_n3A_479 = arith.select %eq3A_472, %broadcast_in_dim3A_478, %get3A_477 : vector<1024x128xi1>, vector<1024x128xf32>
      %swap3A_480 = arith.constant 5 : index
      %swap3A_481 = arith.constant 0 : index
      %swap3A_482 = arith.constant 0 : index
      %swap3A_483 = vector.load %arg4[%swap3A_480, %swap3A_481, %swap3A_482] : memref<6x1024x128xf32, #tpu.memory_space<vmem>>, vector<1x1024x128xf32>
      %swap3A_484 = vector.shape_cast %swap3A_483 : vector<1x1024x128xf32> to vector<1024x128xf32>
      %swap3A_485 = vector.shape_cast %select_n3A_479 : vector<1024x128xf32> to vector<1x1024x128xf32>
      tpu.vector_store %arg4[%swap3A_480, %swap3A_481, %swap3A_482], %swap3A_485 {strides = array<i32>} : memref<6x1024x128xf32, #tpu.memory_space<vmem>>, vector<1x1024x128xf32>,
      %min3A_486 = arith.minimumf %min3A_465, %select_n3A_479 : vector<1024x128xf32>
      %reduce_min3A_487 = arith.constant dense<0x7F800000> : vector<1024xf32>
      %reduce_min3A_488 = vector.multi_reduction <minimumf>, %min3A_486, %reduce_min3A_487 [1] : vector<1024x128xf32> to vector<1024xf32>
      %broadcast_in_dim3A_489 = vector.shape_cast %reduce_min3A_488 : vector<1024xf32> to vector<1024x1xf32>
      scf.yield %broadcast_in_dim3A_489, %select_n3A_359 : vector<1024x1xf32>, vector<1024x32xi32>
    }
    %scan3A_254 = arith.constant 32 : i32
    %swap3A_255 = arith.constant 0 : index
    %swap3A_256 = arith.constant 0 : index
    %swap3A_257 = vector.load %arg3[%swap3A_255, %swap3A_256] : memref<1024x32xi32, #tpu.memory_space<vmem>>, vector<1024x32xi32>
    tpu.vector_store %arg3[%swap3A_255, %swap3A_256], %scan3A_253#1 {strides = array<i32>} : memref<1024x32xi32, #tpu.memory_space<vmem>>, vector<1024x32xi32>,
    return
  }
  func.func @transform_0(%arg0: i32) -> (i32, i32) {
    %c0_i32 = arith.constant 0 : i32
    %c0_i32_0 = arith.constant 0 : i32
    return %arg0, %c0_i32 : i32, i32
  }
  func.func @transform_1(%arg0: i32) -> (i32, i32, i32) {
    %c0_i32 = arith.constant 0 : i32
    %c0_i32_0 = arith.constant 0 : i32
    %c0_i32_1 = arith.constant 0 : i32
    %c0_i32_2 = arith.constant 0 : i32
    return %c0_i32, %c0_i32_0, %c0_i32_1 : i32, i32, i32
  }
  func.func @transform_2(%arg0: i32) -> (i32, i32) {
    %c0_i32 = arith.constant 0 : i32
    %c0_i32_0 = arith.constant 0 : i32
    return %arg0, %c0_i32 : i32, i32
  }
}

module attributes {stable_mosaic.version = 14 : i64} {
  func.func @_xform_body(%arg0: i32, %arg1: memref<2000x32xf32, #tpu.memory_space<vmem>>, %arg2: memref<2000x32xf32, #tpu.memory_space<vmem>>, %arg3: memref<2000x32xf32, #tpu.memory_space<vmem>>, %arg4: memref<2000x16xf32, #tpu.memory_space<vmem>>, %arg5: memref<2000x32xf32, #tpu.memory_space<vmem>>, %arg6: memref<2000x32xf32, #tpu.memory_space<vmem>>, %arg7: memref<2000x32xf32, #tpu.memory_space<vmem>>) attributes {dimension_semantics = [#tpu.dimension_semantics<arbitrary>], iteration_bounds = array<i64: 5>, scalar_prefetch = 0 : i64, scratch_operands = 0 : i64, tpu.core_type = #tpu.core_type<tc>, window_params = [{transform_indices = @transform_0, window_bounds = array<i64: 2000, 32>}, {transform_indices = @transform_1, window_bounds = array<i64: 2000, 32>}, {transform_indices = @transform_2, window_bounds = array<i64: 2000, 32>}, {transform_indices = @transform_3, window_bounds = array<i64: 2000, 16>}, {transform_indices = @transform_4, window_bounds = array<i64: 2000, 32>}, {transform_indices = @transform_5, window_bounds = array<i64: 2000, 32>}, {transform_indices = @transform_6, window_bounds = array<i64: 2000, 32>}]} {
    %get3A = arith.constant 0 : index
    %get3A_0 = arith.constant 0 : index
    %get3A_1 = vector.load %arg1[%get3A, %get3A_0] : memref<2000x32xf32, #tpu.memory_space<vmem>>, vector<2000x32xf32>
    %get3A_2 = arith.constant 0 : index
    %get3A_3 = arith.constant 9 : index
    %get3A_4 = vector.load %arg4[%get3A_2, %get3A_3] : memref<2000x16xf32, #tpu.memory_space<vmem>>, vector<2000x1xf32>
    %sub3A = vector.broadcast %get3A_4 : vector<2000x1xf32> to vector<2000x32xf32>
    %sub3A_5 = arith.subf %get3A_1, %sub3A : vector<2000x32xf32>
    %get3A_6 = arith.constant 0 : index
    %get3A_7 = arith.constant 0 : index
    %get3A_8 = vector.load %arg2[%get3A_6, %get3A_7] : memref<2000x32xf32, #tpu.memory_space<vmem>>, vector<2000x32xf32>
    %get3A_9 = arith.constant 0 : index
    %get3A_10 = arith.constant 10 : index
    %get3A_11 = vector.load %arg4[%get3A_9, %get3A_10] : memref<2000x16xf32, #tpu.memory_space<vmem>>, vector<2000x1xf32>
    %sub3A_12 = vector.broadcast %get3A_11 : vector<2000x1xf32> to vector<2000x32xf32>
    %sub3A_13 = arith.subf %get3A_8, %sub3A_12 : vector<2000x32xf32>
    %get3A_14 = arith.constant 0 : index
    %get3A_15 = arith.constant 0 : index
    %get3A_16 = vector.load %arg3[%get3A_14, %get3A_15] : memref<2000x32xf32, #tpu.memory_space<vmem>>, vector<2000x32xf32>
    %get3A_17 = arith.constant 0 : index
    %get3A_18 = arith.constant 11 : index
    %get3A_19 = vector.load %arg4[%get3A_17, %get3A_18] : memref<2000x16xf32, #tpu.memory_space<vmem>>, vector<2000x1xf32>
    %sub3A_20 = vector.broadcast %get3A_19 : vector<2000x1xf32> to vector<2000x32xf32>
    %sub3A_21 = arith.subf %get3A_16, %sub3A_20 : vector<2000x32xf32>
    %get3A_22 = arith.constant 0 : index
    %get3A_23 = arith.constant 0 : index
    %get3A_24 = vector.load %arg4[%get3A_22, %get3A_23] : memref<2000x16xf32, #tpu.memory_space<vmem>>, vector<2000x1xf32>
    %mul3A = vector.broadcast %get3A_24 : vector<2000x1xf32> to vector<2000x32xf32>
    %mul3A_25 = arith.mulf %mul3A, %sub3A_5 : vector<2000x32xf32>
    %get3A_26 = arith.constant 0 : index
    %get3A_27 = arith.constant 3 : index
    %get3A_28 = vector.load %arg4[%get3A_26, %get3A_27] : memref<2000x16xf32, #tpu.memory_space<vmem>>, vector<2000x1xf32>
    %mul3A_29 = vector.broadcast %get3A_28 : vector<2000x1xf32> to vector<2000x32xf32>
    %mul3A_30 = arith.mulf %mul3A_29, %sub3A_13 : vector<2000x32xf32>
    %add3A = arith.addf %mul3A_25, %mul3A_30 : vector<2000x32xf32>
    %get3A_31 = arith.constant 0 : index
    %get3A_32 = arith.constant 6 : index
    %get3A_33 = vector.load %arg4[%get3A_31, %get3A_32] : memref<2000x16xf32, #tpu.memory_space<vmem>>, vector<2000x1xf32>
    %mul3A_34 = vector.broadcast %get3A_33 : vector<2000x1xf32> to vector<2000x32xf32>
    %mul3A_35 = arith.mulf %mul3A_34, %sub3A_21 : vector<2000x32xf32>
    %add3A_36 = arith.addf %add3A, %mul3A_35 : vector<2000x32xf32>
    %swap3A = arith.constant 0 : index
    %swap3A_37 = arith.constant 0 : index
    %swap3A_38 = vector.load %arg5[%swap3A, %swap3A_37] : memref<2000x32xf32, #tpu.memory_space<vmem>>, vector<2000x32xf32>
    tpu.vector_store %arg5[%swap3A, %swap3A_37], %add3A_36 {strides = array<i32>} : memref<2000x32xf32, #tpu.memory_space<vmem>>, vector<2000x32xf32>,
    %get3A_39 = arith.constant 0 : index
    %get3A_40 = arith.constant 1 : index
    %get3A_41 = vector.load %arg4[%get3A_39, %get3A_40] : memref<2000x16xf32, #tpu.memory_space<vmem>>, vector<2000x1xf32>
    %mul3A_42 = vector.broadcast %get3A_41 : vector<2000x1xf32> to vector<2000x32xf32>
    %mul3A_43 = arith.mulf %mul3A_42, %sub3A_5 : vector<2000x32xf32>
    %get3A_44 = arith.constant 0 : index
    %get3A_45 = arith.constant 4 : index
    %get3A_46 = vector.load %arg4[%get3A_44, %get3A_45] : memref<2000x16xf32, #tpu.memory_space<vmem>>, vector<2000x1xf32>
    %mul3A_47 = vector.broadcast %get3A_46 : vector<2000x1xf32> to vector<2000x32xf32>
    %mul3A_48 = arith.mulf %mul3A_47, %sub3A_13 : vector<2000x32xf32>
    %add3A_49 = arith.addf %mul3A_43, %mul3A_48 : vector<2000x32xf32>
    %get3A_50 = arith.constant 0 : index
    %get3A_51 = arith.constant 7 : index
    %get3A_52 = vector.load %arg4[%get3A_50, %get3A_51] : memref<2000x16xf32, #tpu.memory_space<vmem>>, vector<2000x1xf32>
    %mul3A_53 = vector.broadcast %get3A_52 : vector<2000x1xf32> to vector<2000x32xf32>
    %mul3A_54 = arith.mulf %mul3A_53, %sub3A_21 : vector<2000x32xf32>
    %add3A_55 = arith.addf %add3A_49, %mul3A_54 : vector<2000x32xf32>
    %swap3A_56 = arith.constant 0 : index
    %swap3A_57 = arith.constant 0 : index
    %swap3A_58 = vector.load %arg6[%swap3A_56, %swap3A_57] : memref<2000x32xf32, #tpu.memory_space<vmem>>, vector<2000x32xf32>
    tpu.vector_store %arg6[%swap3A_56, %swap3A_57], %add3A_55 {strides = array<i32>} : memref<2000x32xf32, #tpu.memory_space<vmem>>, vector<2000x32xf32>,
    %get3A_59 = arith.constant 0 : index
    %get3A_60 = arith.constant 2 : index
    %get3A_61 = vector.load %arg4[%get3A_59, %get3A_60] : memref<2000x16xf32, #tpu.memory_space<vmem>>, vector<2000x1xf32>
    %mul3A_62 = vector.broadcast %get3A_61 : vector<2000x1xf32> to vector<2000x32xf32>
    %mul3A_63 = arith.mulf %mul3A_62, %sub3A_5 : vector<2000x32xf32>
    %get3A_64 = arith.constant 0 : index
    %get3A_65 = arith.constant 5 : index
    %get3A_66 = vector.load %arg4[%get3A_64, %get3A_65] : memref<2000x16xf32, #tpu.memory_space<vmem>>, vector<2000x1xf32>
    %mul3A_67 = vector.broadcast %get3A_66 : vector<2000x1xf32> to vector<2000x32xf32>
    %mul3A_68 = arith.mulf %mul3A_67, %sub3A_13 : vector<2000x32xf32>
    %add3A_69 = arith.addf %mul3A_63, %mul3A_68 : vector<2000x32xf32>
    %get3A_70 = arith.constant 0 : index
    %get3A_71 = arith.constant 8 : index
    %get3A_72 = vector.load %arg4[%get3A_70, %get3A_71] : memref<2000x16xf32, #tpu.memory_space<vmem>>, vector<2000x1xf32>
    %mul3A_73 = vector.broadcast %get3A_72 : vector<2000x1xf32> to vector<2000x32xf32>
    %mul3A_74 = arith.mulf %mul3A_73, %sub3A_21 : vector<2000x32xf32>
    %add3A_75 = arith.addf %add3A_69, %mul3A_74 : vector<2000x32xf32>
    %swap3A_76 = arith.constant 0 : index
    %swap3A_77 = arith.constant 0 : index
    %swap3A_78 = vector.load %arg7[%swap3A_76, %swap3A_77] : memref<2000x32xf32, #tpu.memory_space<vmem>>, vector<2000x32xf32>
    tpu.vector_store %arg7[%swap3A_76, %swap3A_77], %add3A_75 {strides = array<i32>} : memref<2000x32xf32, #tpu.memory_space<vmem>>, vector<2000x32xf32>,
    return
  }
  func.func @transform_0(%arg0: i32) -> (i32, i32) {
    %c0_i32 = arith.constant 0 : i32
    %c0_i32_0 = arith.constant 0 : i32
    return %arg0, %c0_i32 : i32, i32
  }
  func.func @transform_1(%arg0: i32) -> (i32, i32) {
    %c0_i32 = arith.constant 0 : i32
    %c0_i32_0 = arith.constant 0 : i32
    return %arg0, %c0_i32 : i32, i32
  }
  func.func @transform_2(%arg0: i32) -> (i32, i32) {
    %c0_i32 = arith.constant 0 : i32
    %c0_i32_0 = arith.constant 0 : i32
    return %arg0, %c0_i32 : i32, i32
  }
  func.func @transform_3(%arg0: i32) -> (i32, i32) {
    %c0_i32 = arith.constant 0 : i32
    %c0_i32_0 = arith.constant 0 : i32
    return %arg0, %c0_i32 : i32, i32
  }
  func.func @transform_4(%arg0: i32) -> (i32, i32) {
    %c0_i32 = arith.constant 0 : i32
    %c0_i32_0 = arith.constant 0 : i32
    return %arg0, %c0_i32 : i32, i32
  }
  func.func @transform_5(%arg0: i32) -> (i32, i32) {
    %c0_i32 = arith.constant 0 : i32
    %c0_i32_0 = arith.constant 0 : i32
    return %arg0, %c0_i32 : i32, i32
  }
  func.func @transform_6(%arg0: i32) -> (i32, i32) {
    %c0_i32 = arith.constant 0 : i32
    %c0_i32_0 = arith.constant 0 : i32
    return %arg0, %c0_i32 : i32, i32
  }
}

</mosaic_0001>

<sc_bundles>
// kernel: kernel.5.cloned.1.call-start
scs
__scs_entry_jumppad:
0x0: {  	(pc) =	sbr.rel $0x88, $3  }
0x1: {  	(tag) =	ssettag $0x0;
	lr =	simm.s32 $0x1  }
0x2: {  	[smem:$0x3F9F] =	sst lr;
	_ =	strace $0xD0000000  }
0x3: {  	_ = 	snop  }
0x4: {  	_ = 	snop  }
0x5: {  	_ = 	snop  }
0x6: {  	_ = 	snop  }
0x7: {  	_ = 	snop  }
__scs_overlays_trampoline_lowered:
0x8: {  	[smem:$0x3FAE] =	sst s0  }
0x9: {  	[smem:$0x3FAF] =	sst s1  }
0xa: {  	[smem:$0x3FB0] =	sst s2  }
0xb: {  	[smem:$0x3FB1] =	sst s3  }
0xc: {  	[smem:$0x3FB2] =	sst s4  }
0xd: {  	[smem:$0x3FB3] =	sst s5  }
0xe: {  	[smem:$0x3FB4] =	sst s6  }
0xf: {  	[smem:$0x3FB5] =	sst s7  }
0x10: {  	[smem:$0x3FB6] =	sst s8  }
0x11: {  	[smem:$0x3FB7] =	sst s9;
	s0 =	simm.s32 @!p0 $0x0  }
0x12: {  	s1 =	sld [smem:$0x3F9D];
	s0 =	simm.s32 @p0 $0x1  }
0x13: {  	[smem:$0x3FB8] =	sst s0;
	s0 =	simm.s32 @!p1 $0x0  }
0x14: {  	s2 =	sld [smem:$0x3F9C];
	s0 =	simm.s32 @p1 $0x1  }
0x15: {  	[smem:$0x3FB9] =	sst s0;
	s0 =	simm.s32 @!p2 $0x0  }
0x16: {  	s3 =	sld [smem:$0x3FDB];
	s0 =	simm.s32 @p2 $0x1  }
0x17: {  	s4 =	simm.s32 $0x1BF5;
	[smem:$0x3FBB] =	sst s0  }
0x18: {  	s0 =	sld [smem:$0x3F9E];
	_ =	swait.ge [sflag:s4], $0x0  }
0x19: {  	s7 =	sld [smem:$0x3F9F]  }
0x1a: {  	s8 =	sadd.s32 $0xFFFFE003, lr  }
0x1b: {  	s9 =	sadd.s32 $0xFFFFFEF7, lr;
	s5 =	simm.s32 $0xFFFFFFFF;
	p2 =	slt.u32 s8, $0xFFFFF086  }
0x1c: {  	p1 =	slt.u32 s9, $0xF7A;
	s5 =	simm.s32 @!p2 $0x0  }
0x1d: {  	s5 =	simm.s32 @p1 $0x1;
	p0 =	seq.s32 s7, s2  }
0x1e: {  	s7 =	smul.u32 @!p0 $0xF7A, s2;
	p2 =	seq.s32 @!p0 s5, $0x0  }
0x1f: {  	s9 =	smul.u32 $0xF7A, s1;
	s8 =	simm.s32 @!p0 $0x1BF5;
	p2 =	por !p2, p0  }
0x20: {  	[sflag:s8] =	ssyncset.s32 @!p0 $0xFFFFF086;
	s6 =	sadd.s32 @!p0 s3, s7;
	s7 =	simm.s32 @!p0 $0x108  }
0x21: {  	s3 =	sadd.s32 s3, s9;
	s6 =	sadd.s32 @!p0 $0x88, s6;
	s7 =	simm.s32 @p2 $0x1082  }
0x22: {  	[simem:s7], [sflag:s8] =	dma.local @!p0 [hbm:s6], $0xF7A  }
0x23: {  	s9 =	sor.u32 $0xD0000000, s2;
	s6 =	simm.s32 $0x108;
	_ =	swait.ge @!p0 [sflag:s8], $0x0  }
0x24: {  	s3 =	sadd.s32 $0x88, s3;
	s6 =	simm.s32 @!p1 $0x1082;
	[sflag:s4] =	ssyncset.s32 $0xFFFFF086  }
0x25: {  	[simem:s6], [sflag:s4] =	dma.local [hbm:s3], $0xF7A  }
0x26: {  	[smem:$0x3F9F] =	sst s1;
	(tag) =	ssettag s2;
	_ =	strace s9  }
0x27: {  	s1 =	sld [smem:$0x3FAF]  }
0x28: {  	s2 =	sld [smem:$0x3FB0]  }
0x29: {  	s4 =	sld [smem:$0x3FB2]  }
0x2a: {  	p0 =	seq.s32 s5, $0x0;
	s5 =	sld [smem:$0x3FB3]  }
0x2b: {  	s6 =	sld [smem:$0x3FB4]  }
0x2c: {  	s7 =	sld [smem:$0x3FB5]  }
0x2d: {  	s3 =	simm.s32 $0x108;
	s8 =	sld [smem:$0x3FB6]  }
0x2e: {  	s3 =	simm.s32 @!p0 $0x1082;
	s9 =	sld [smem:$0x3FB7]  }
0x2f: {  	lr =	sadd.s32 s0, s3;
	s0 =	sld [smem:$0x3FAE]  }
0x30: {  	s3 =	sld [smem:$0x3FB1]  }
0x31: {  	[smem:$0x3FBA] =	sst s10  }
0x32: {  	s10 =	sld [smem:$0x3FB8];
	_ =	sdelay $0x3  }
0x33: {  	p0 =	seq.s32 s10, $0x1;
	s10 =	sld [smem:$0x3FBA];
	_ =	sdelay $0x3  }
0x34: {  	[smem:$0x3FBA] =	sst s10  }
0x35: {  	s10 =	sld [smem:$0x3FB9];
	_ =	sdelay $0x3  }
0x36: {  	p1 =	seq.s32 s10, $0x1;
	s10 =	sld [smem:$0x3FBA];
	_ =	sdelay $0x3  }
0x37: {  	[smem:$0x3FBA] =	sst s10  }
0x38: {  	s10 =	sld [smem:$0x3FBB]  }
0x39: {  	_ = 	snop;
	(pc) =	sbr.ind lr, $3  }
0x3a: {  	_ = 	snop  }
0x3b: {  	_ = 	snop  }
0x3c: {  	p2 =	seq.s32 s10, $0x1;
	s10 =	sld [smem:$0x3FBA]  }
0x3d: {  	_ =	shalt  }
0x3e: {  	_ =	shalt  }
0x3f: {  	_ =	shalt  }
0x40: {  	_ =	shalt  }
0x41: {  	_ =	shalt  }
0x42: {  	_ =	shalt  }
0x43: {  	_ =	shalt  }
0x44: {  	_ =	shalt  }
0x45: {  	_ =	shalt  }
0x46: {  	_ =	shalt  }
0x47: {  	_ =	shalt  }
0x48: {  	_ =	shalt  }
0x49: {  	_ =	shalt  }
0x4a: {  	_ =	shalt  }
0x4b: {  	_ =	shalt  }
0x4c: {  	_ =	shalt  }
0x4d: {  	_ =	shalt  }
0x4e: {  	_ =	shalt  }
0x4f: {  	_ =	shalt  }
0x50: {  	_ =	shalt  }
0x51: {  	_ =	shalt  }
0x52: {  	_ =	shalt  }
0x53: {  	_ =	shalt  }
0x54: {  	_ =	shalt  }
0x55: {  	_ =	shalt  }
0x56: {  	_ =	shalt  }
0x57: {  	_ =	shalt  }
0x58: {  	_ =	shalt  }
0x59: {  	_ =	shalt  }
0x5a: {  	_ =	shalt  }
0x5b: {  	_ =	shalt  }
0x5c: {  	_ =	shalt  }
0x5d: {  	_ =	shalt  }
0x5e: {  	_ =	shalt  }
0x5f: {  	_ =	shalt  }
0x60: {  	_ =	shalt  }
0x61: {  	_ =	shalt  }
0x62: {  	_ =	shalt  }
0x63: {  	_ =	shalt  }
0x64: {  	_ =	shalt  }
0x65: {  	_ =	shalt  }
0x66: {  	_ =	shalt  }
0x67: {  	_ =	shalt  }
0x68: {  	_ =	shalt  }
0x69: {  	_ =	shalt  }
0x6a: {  	_ =	shalt  }
0x6b: {  	_ =	shalt  }
0x6c: {  	_ =	shalt  }
0x6d: {  	_ =	shalt  }
0x6e: {  	_ =	shalt  }
0x6f: {  	_ =	shalt  }
0x70: {  	_ =	shalt  }
0x71: {  	_ =	shalt  }
0x72: {  	_ =	shalt  }
0x73: {  	_ =	shalt  }
0x74: {  	_ =	shalt  }
0x75: {  	_ =	shalt  }
0x76: {  	_ =	shalt  }
0x77: {  	_ =	shalt  }
0x78: {  	_ =	shalt  }
0x79: {  	_ =	shalt  }
0x7a: {  	_ =	shalt  }
0x7b: {  	_ =	shalt  }
0x7c: {  	_ =	shalt  }
0x7d: {  	_ =	shalt  }
0x7e: {  	_ =	shalt  }
0x7f: {  	_ =	shalt  }
0x80: {  	_ =	shalt  }
0x81: {  	_ =	shalt  }
0x82: {  	_ =	shalt  }
0x83: {  	_ =	shalt  }
0x84: {  	_ =	shalt  }
0x85: {  	_ =	shalt  }
0x86: {  	_ =	shalt  }
0x87: {  	_ =	shalt  }
.Lfunc_end0:
.L_simem_size_0:
called_computation_lowered:
.L_overlay_start_0:
0x88: {  	s2 =	sld [smem:$0x3FD9]  }
0x89: {  	s3 =	sld [smem:$0x3FFE];
	_ =	sdelay $0x1  }
0x8a: {  	s1 =	srdreg.scid  }
0x8b: {  	s0 =	sand.u32 $0x1, s1  }
0x8c: {  	s14 =	sshll.u32 s0, $0xA;
	s2 =	sadd.s32 s3, s2  }
0x8d: {  	s2 =	sadd.s32 s2, s14  }
0x8e: {  	[smem:$0x3FC6] =	sst s2  }
0x8f: {  	_ = 	snop  }
0x90: {  	s2 =	sld [smem:$0x3FD0];
	_ =	sdelay $0x2  }
0x91: {  	s15 =	simm.s32 $0xA;
	s4 =	simm.s32 $0x10  }
0x92: {  	[smem:s4], [sflag:s15] =	dma.local [hbm:s2], $0x1  }
0x93: {  	_ =	swait.eq [sflag:s15], $0x1  }
0x94: {  	[sflag:s15] =	ssyncset.done $0x0  }
0x95: {  	[sflag:s15] =	ssyncadd.s32 $0xFFFFFFFF  }
0x96: {  	s16 =	sld [smem:$0x11];
	(tm) =	ssettm $0x1  }
0x97: {  	s17 =	sld [smem:$0x3FFB];
	_ =	sdelay $0x3  }
0x98: {  	_ =	strace s17  }
0x99: {  	s3 =	sld [smem:$0x3FFC];
	_ =	sdelay $0x3  }
0x9a: {  	_ =	strace s3  }
0x9b: {  	s3 =	sld [smem:$0x3FFD];
	_ =	sdelay $0x3  }
0x9c: {  	_ =	strace s3  }
0x9d: {  	_ =	strace $0x8FFFFFFF  }
0x9e: {  	s18 =	sld [smem:$0x3FDB];
	_ =	sdelay $0x1  }
0x9f: {  	s19 =	simm.s32 $_scs_section_size  }
0xa0: {  	s5 =	simm.s32 $_size__tile_overlayer_lowered;
	s6 =	simm.s32 $_tile_overlayer_lowered  }
0xa1: {  	s22 =	simm.s32 $0x1BFF;
	s21 =	sshll.u32 s6, $0x1;
	s3 =	sadd.s32 s19, s18  }
0xa2: {  	s7 =	simm.s32 $0x0;
	s20 =	sshll.u32 s5, $0x1;
	s5 =	sadd.s32 s21, s3  }
0xa3: {  	[timem:s7], [sflag:s22] =	dma.local [hbm:s5], s20  }
0xa4: {  	_ =	swait.ge [sflag:s22], s20  }
0xa5: {  	s4 =	ssub.s32 $0x0, s20;
	[sflag:s22] =	ssyncset.done $0x0  }
0xa6: {  	[sflag:s22] =	ssyncadd.s32 s4;
	_ =	sdelay $0x1  }
0xa7: {  	s23 =	simm.s32 $0x1B8B  }
0xa8: {  	_ =	swait.ge [sflag:s23], $0x1  }
0xa9: {  	[sflag:s23] =	ssyncset.done $0x0  }
0xaa: {  	s25 =	simm.s32 $0x1B8E;
	s24 =	sld [smem:$0x3FFE];
	[sflag:s23] =	ssyncadd.s32 $0xFFFFFFFF  }
0xab: {  	s26 =	simm.s32 $execute0_lowered;
	[smem:$0x3FD2] =	sst s25  }
0xac: {  	s5 =	sshll.u32 s26, $0x1;
	_ =	strace $0x80000046;
	[dreg:$0x1] =	wrdreg $0xFFFFFFFF  }
0xad: {  	s28 =	simm.s32 $_size_execute0_lowered;
	s3 =	sadd.s32 s3, s5;
	[dreg:$0x0] =	wrdreg $0x0  }
0xae: {  	s5 =	sshll.u32 s28, $0x1;
	[dreg:$0x2] =	wrdreg s3  }
0xaf: {  	[dreg:$0x3] =	wrdreg s5  }
0xb0: {  	[dreg:$0x4] =	wrdreg $0xC0  }
0xb1: {  	_ =	task [dreg:s7], $0x5FFFF  }
0xb2: {  	[dreg:$0x1] =	wrdreg $0xFFFFFFFF  }
0xb3: {  	[dreg:$0x0] =	wrdreg $0x60  }
0xb4: {  	[dreg:$0x2] =	wrdreg s24  }
0xb5: {  	[dreg:$0x3] =	wrdreg s16  }
0xb6: {  	[dreg:$0x4] =	wrdreg $0x9  }
0xb7: {  	_ =	task.clear_ibuf [dreg:s7], $0x5FFFF;
	_ =	strace $0x90000046  }
0xb8: {  	s29 =	simm.s32 $0x9;
	_ =	strace $0x80000048  }
0xb9: {  	_ =	swait.ge [sflag:s29], $0x1  }
0xba: {  	[sflag:s29] =	ssyncadd.s32 $0xFFFFFFFF  }
0xbb: {  	_ =	strace $0x90000048  }
0xbc: {  	_ =	sfence  }
0xbd: {  	s30 =	sld [smem:$0x0];
	_ =	sdelay $0x2  }
0xbe: {  	s31 =	sshll.u32 s1, $0xD;
	s1 =	sshrl.u32 s1, $0x2  }
0xbf: {  	s3 =	sand.u32 $0x4000, s31;
	s1 =	sadd.s32 s1, s30  }
0xc0: {  	s0 =	sor.u32 s3, s0;
	s1 =	sshll.u32 s1, $0x11  }
0xc1: {  	s0 =	sor.u32 s1, s0  }
0xc2: {  	s0 =	sadd.s32 $0x8F2B, s0  }
0xc3: {  	[sflag:s0] =	ssyncadd.remote.s32 $0x1  }
0xc4: {  	_ =	sfence.sel $0xFFFF  }
0xc5: {  	[dreg:$0x0] =	wrdreg $0xFFFFFFFF;
	(pc) =	sbr.abs _section_cstart, $3  }
0xc6: {  	[dreg:$0x1] =	wrdreg $0xFFFFFFFF  }
0xc7: {  	_ =	task.clear_ibuf [dreg:s7], $0x2FFFF;
	_ =	strace $0x9FFFFFFF  }
0xc8: {  	(tm) =	ssettm $0x7FFFFFFF  }
0xc9: {  	_ =	shalt  }
tec
execute0_lowered:
.L_overlay_start_1:
0x0: {  	(tag) =	ssettag $0x1  }
0x1: {  	s1 =	rddreg [dreg:$0x0]  }
0x2: {  	s2 =	rddreg [dreg:$0x1]  }
0x3: {  	s0 =	rddreg [dreg:$0x2];
	s3 =	simm.s32 $0x0;
	s7 =	srdreg.scid  }
0x4: {  	s4 =	stileid.u32;
	s13 =	simm.s32 $0x2780;
	s14 =	simm.s32 $0x4F00  }
0x5: {  	s15 =	simm.s32 $0x7680;
	s16 =	simm.s32 $0x7E80;
	s17 =	simm.s32 $0x8680  }
0x6: {  	s18 =	simm.s32 $0x8E80;
	s19 =	simm.s32 $0x0;
	[smem:$0x7FF] =	sst s3  }
0x7: {  	s5 =	sadd.s32 $0xC00, s1;
	s6 =	sadd.s32 $0x600, s1;
	s9 =	sand.u32 $0x1, s7  }
0x8: {  	s7 =	sadd.s32 $0x1200, s1;
	s11 =	sshll.u32 s4, $0x1;
	s10 =	ssub.s32 $0x2, s9  }
0x9: {  	s8 =	sadd.s32 $0xB000, s1;
	_ =	strace $0x80000047;
	s12 =	sshrl.u32 s10, $0x1  }
0xa: {  	s11 =	sor.u32 s9, s11;
	s9 =	sadd.s32 $0x14E00, s1;
	s12 =	ssub.s32 s10, s12  }
0xb: {  	s10 =	smul.u32 $0x2710, s11;
	s11 =	smax.u32 s12, $0x1;
	s12 =	simm.s32 $0x1  }
.LBB2_1:
0xc: {  	[tilespmem:s3], [sflag:$0x1] =	stream.linear.gather [hbm4b:s5+s3], $0x2780, $0x38;
	[tilespmem:$0x9680] =	vst v63  }
0xd: {  	_ =	swait.ge [sflag:s12], $0x2780  }
0xe: {  	[sflag:s12] =	ssyncset.done $0x0  }
0xf: {  	[sflag:s12] =	ssyncadd.s32 $0xFFFFD880  }
0x10: {  	[tilespmem:s13], [sflag:$0x1] =	stream.linear.gather [hbm4b:s6+s3], $0x2780, $0x38;
	[tilespmem:$0x9680] =	vst v63  }
0x11: {  	_ =	swait.ge [sflag:s12], $0x2780  }
0x12: {  	[sflag:s12] =	ssyncset.done $0x0  }
0x13: {  	[sflag:s12] =	ssyncadd.s32 $0xFFFFD880  }
0x14: {  	[tilespmem:s14], [sflag:$0x1] =	stream.linear.gather [hbm4b:s1+s3], $0x2780, $0x38;
	[tilespmem:$0x9680] =	vst v63  }
0x15: {  	_ =	swait.ge [sflag:s12], $0x2780  }
0x16: {  	[sflag:s12] =	ssyncset.done $0x0  }
0x17: {  	s20 =	simm.s32 $0x0;
	[sflag:s12] =	ssyncadd.s32 $0xFFFFD880  }
.LBB2_2:
0x18: {  	s21 =	smul.u32 $0x7D0, s20;
	_ =	sdelay $0x1  }
0x19: {  	s21 =	sadd.s32 s10, s21  }
0x1a: {  	s21 =	sshrl.u32 s21, $0x3  }
0x1b: {  	s23 =	simm.s32 $0x0;
	s22 =	sadd.s32 s2, s21  }
0x1c: {  	[tilespmem:s15], [sflag:$0x1] =	stream.linear.gather [hbm4b:s22+s23], $0x7D0, $0x38;
	[tilespmem:$0x9680] =	vst v63  }
0x1d: {  	_ =	swait.ge [sflag:s12], $0x7D0  }
0x1e: {  	[sflag:s12] =	ssyncset.done $0x0  }
0x1f: {  	s22 =	simm.s32 $0x0;
	[sflag:s12] =	ssyncadd.s32 $0xFFFFF830  }
0x20: {  	v0 =	vld [tilespmem:s22+$0x7680];
	_ =	sdelay $0x7  }
0x21: {  	v1 =	vld.idx.msk [tilespmem:v0+s3+$0x0], $0xffff;
	_ =	sdelay $0x4  }
0x22: {  	[tilespmem:s22+$0x7E80] =	vst v1  }
0x23: {  	v1 =	vld.idx.msk [tilespmem:v0+s13+$0x0], $0xffff;
	_ =	sdelay $0x3  }
0x24: {  	s24 =	simm.s32 $0x10;
	s23 =	simm.s32 $0x80  }
.LBB2_3:
0x25: {  	p0 =	sne.s32 s23, $0x1F00;
	v2 =	vld [tilespmem:s24+$0x7680];
	[tilespmem:s22+$0x8680] =	vst v1  }
0x26: {  	v1 =	vld.idx.msk [tilespmem:v0+s14+$0x0], $0xffff;
	_ =	sdelay $0x3  }
0x27: {  	v0 =	vmov v2;
	_ =	sdelay $0x1  }
0x28: {  	[tilespmem:s22+$0x8E80] =	vst v1;
	s22 =	smov.u32 s24  }
0x29: {  	v1 =	vld.idx.msk [tilespmem:v2+s3+$0x0], $0xffff;
	_ =	sdelay $0x5  }
0x2a: {  	[tilespmem:s22+$0x7E80] =	vst v1  }
0x2b: {  	v1 =	vld.idx.msk [tilespmem:v2+s13+$0x0], $0xffff  }
.Ltmp0:
0x2c: {  	(pc) =	sbr.rel @p0 .LBB2_3-.Ltmp0, $2  }
0x2d: {  	_ =	sdelay $0x2  }
0x2e: {  	s24 =	sshra.s32 s23, $0x2;
	s23 =	sadd.s32 $0x40, s23  }
0x2f: {  	_ =	sdelay $0x1  }
0x30: {  	v2 =	vld [tilespmem:s24+$0x7680]  }
0x31: {  	[tilespmem:s22+$0x8680] =	vst v1  }
0x32: {  	v0 =	vld.idx.msk [tilespmem:v0+s14+$0x0], $0xffff;
	_ =	sdelay $0x4  }
0x33: {  	[tilespmem:s22+$0x8E80] =	vst v0  }
0x34: {  	v0 =	vld.idx.msk [tilespmem:v2+s3+$0x0], $0xffff;
	_ =	sdelay $0x4  }
0x35: {  	[tilespmem:s24+$0x7E80] =	vst v0  }
0x36: {  	v0 =	vld.idx.msk [tilespmem:v2+s13+$0x0], $0xffff;
	_ =	sdelay $0x4  }
0x37: {  	[tilespmem:s24+$0x8680] =	vst v0  }
0x38: {  	v0 =	vld.idx.msk [tilespmem:v2+s14+$0x0], $0xffff;
	_ =	sdelay $0x4  }
0x39: {  	s29 =	sadd.s32 s7, s21;
	[tilespmem:s24+$0x8E80] =	vst v0  }
0x3a: {  	[hbm4b:s29+s3] =	stream.linear.scatter [tilespmem:s16], [sflag:$0x1], $0x7D0, $0x38;
	[tilespmem:$0x9680] =	vst v63  }
0x3b: {  	_ =	swait.ge [sflag:s12], $0x7D0  }
0x3c: {  	[sflag:s12] =	ssyncset.done $0x0  }
0x3d: {  	s30 =	sadd.s32 s8, s21;
	[sflag:s12] =	ssyncadd.s32 $0xFFFFF830  }
0x3e: {  	[hbm4b:s30+s3] =	stream.linear.scatter [tilespmem:s17], [sflag:$0x1], $0x7D0, $0x38;
	[tilespmem:$0x9680] =	vst v63  }
0x3f: {  	s20 =	sadd.s32 $0x1, s20;
	_ =	swait.ge [sflag:s12], $0x7D0  }
0x40: {  	p0 =	sne.s32 s20, $0x5;
	[sflag:s12] =	ssyncset.done $0x0  }
.Ltmp1:
0x41: {  	s31 =	sadd.s32 s9, s21;
	[sflag:s12] =	ssyncadd.s32 $0xFFFFF830;
	(pc) =	sbr.rel @p0 .LBB2_2-.Ltmp1, $4  }
0x42: {  	[hbm4b:s31+s3] =	stream.linear.scatter [tilespmem:s18], [sflag:$0x1], $0x7D0, $0x38;
	[tilespmem:$0x9680] =	vst v63  }
0x43: {  	_ =	swait.ge [sflag:s12], $0x7D0  }
0x44: {  	[sflag:s12] =	ssyncset.done $0x0  }
0x45: {  	[sflag:s12] =	ssyncadd.s32 $0xFFFFF830  }
0x46: {  	s19 =	sadd.s32 $0x1, s19  }
0x47: {  	p0 =	sne.s32 s19, s11  }
.Ltmp2:
0x48: {  	_ = 	snop;
	(pc) =	sbr.rel @p0 .LBB2_1-.Ltmp2, $1  }
0x49: {  	_ =	sdelay $0x3  }
0x4a: {  	_ =	sfence.sel $0x180000  }
0x4b: {  	[bflag:$0x0] =	sbarrier.arrive $0xFFFF  }
0x4c: {  	p0 =	sne.s32 s4, $0x0;
	_ =	strace $0x90000047  }
0x4d: {  	s0 =	sadd.s32 @!p0 $0x100000, s0;
	[bflag:$0x2] =	sbarrier.arrive $0xFFFF  }
0x4e: {  	[sflag:s0] =	ssyncadd.tile.s32 @!p0 $0x1;
	_ =	shalt  }
.Lfunc_end2:
_tile_overlayer_lowered:
.L_overlay_start_2:
0x4f: {  	(tag) =	ssettag $0x2  }
0x50: {  	s0 =	rddreg [dreg:$0x0];
	s2 =	stileid.u32  }
0x51: {  	s1 =	rddreg [dreg:$0x1];
	p0 =	sne.s32 s2, $0x0  }
0x52: {  	s3 =	rddreg [dreg:$0x2];
	[bflag:$0x3] =	sbarrier.arrive $0xFFFF;
	s2 =	simm.s32 @!p0 $0x1C01  }
0x53: {  	[timem:s3], [sflag:s2] =	dma.local @!p0 [hbm:s0], s1  }
0x54: {  	s0 =	simm.s32 @!p0 $0x1  }
0x55: {  	_ =	swait.ge @!p0 [sflag:s0], s1  }
0x56: {  	s1 =	ssub.s32 @!p0 $0x0, s1;
	[sflag:s0] =	ssyncset.done @!p0 $0x0  }
0x57: {  	[sflag:s0] =	ssyncadd.s32 @!p0 s1  }
0x58: {  	[bflag:$0x3] =	sbarrier.arrive $0xFFFF  }
0x59: {  	_ =	shalt  }

</sc_bundles>
